<compile_context>
chip_gen: v7x
topology: tpu7x:2x2x1
jax: 0.10.2.dev20260603
libtpu: 0.0.44.dev20260713+nightly
codegen_flags: <defaults>
</compile_context>

<pallas_src>
import functools

import jax
import jax.numpy as jnp
from jax import lax
from jax.experimental import pallas as pl
from jax.experimental.pallas import tpu as pltpu
from jax.experimental.pallas import tpu_sc as plsc

NUM_ROWS = 16384
SEQ = 50
DIM = 32
TOTAL = NUM_ROWS * SEQ

_info = plsc.get_sparse_core_info()
NC, NS = _info.num_cores, _info.num_subcores
NW = NC * NS
PER_W = TOTAL // NW
CHUNK = 128
NCHUNK = PER_W // CHUNK
K = 5
NG = NCHUNK // K

_mesh = plsc.VectorSubcoreMesh(core_axis_name="c", subcore_axis_name="s")


@functools.partial(
    pl.kernel,
    mesh=_mesh,
    compiler_params=pltpu.CompilerParams(use_tc_tiling_on_sc=False),
    out_type=jax.ShapeDtypeStruct((TOTAL, DIM), jnp.float32),
    scratch_types=[
        pltpu.VMEM((NCHUNK, CHUNK), jnp.int32),
        pltpu.VMEM((K, CHUNK, DIM), jnp.float32),
        pltpu.VMEM((K, CHUNK, DIM), jnp.float32),
        pltpu.SemaphoreType.DMA,
        pltpu.SemaphoreType.DMA,
        pltpu.SemaphoreType.DMA,
        pltpu.SemaphoreType.DMA,
    ],
)
def _emb_lookup(idx_hbm, table_hbm, out_hbm, idx_v, rowsA, rowsB,
                gA, gB, oA, oB):
    wid = lax.axis_index("s") * NC + lax.axis_index("c")
    base = wid * PER_W
    rows = (rowsA, rowsB)
    gs = (gA, gB)
    os_ = (oA, oB)

    pltpu.sync_copy(idx_hbm.at[wid], idx_v)

    def out_ref(j):
        return out_hbm.at[pl.ds(base + j * CHUNK, CHUNK)]

    def fire_gathers(g, s):
        for b in range(K):
            pltpu.async_copy(table_hbm.at[idx_v.at[g * K + b]],
                             rows[s].at[b], gs[s])

    def drain_gathers(g, s):
        for b in range(K):
            pltpu.make_async_copy(table_hbm.at[idx_v.at[g * K + b]],
                                  rows[s].at[b], gs[s]).wait()

    def fire_writes(g, s):
        for b in range(K):
            pltpu.async_copy(rows[s].at[b], out_ref(g * K + b), os_[s])

    def drain_writes(g, s):
        for b in range(K):
            pltpu.make_async_copy(rows[s].at[b], out_ref(g * K + b),
                                  os_[s]).wait()

    fire_gathers(0, 0)
    fire_gathers(1, 1)
    drain_gathers(0, 0)
    fire_writes(0, 0)

    def body(p, _):
        for s in (1, 0):
            g = 2 * p + (1 if s == 1 else 2)
            drain_writes(g - 1, 1 - s)
            fire_gathers(g + 1, 1 - s)
            drain_gathers(g, s)
            fire_writes(g, s)
        return 0

    lax.fori_loop(0, (NG - 2) // 2, body, 0)

    drain_writes(NG - 2, 0)
    drain_gathers(NG - 1, 1)
    fire_writes(NG - 1, 1)
    drain_writes(NG - 1, 1)


def kernel(token_ids, E):
    idx = token_ids.astype(jnp.int32).reshape(NW, NCHUNK, CHUNK)
    out = _emb_lookup(idx, E)
    return out.reshape(NUM_ROWS, SEQ, DIM)

# --- scband reference (transcript-rebuilt; emitter-appended) ---
"""Pipeline reference for scband-embedding-26517128085999 (READ-ONLY COPY).

The authoritative reference and input builder live on the scoring server;
editing this copy changes nothing except your own understanding.
"""

import jax, jax.numpy as jnp
import numpy as np

NUM_EMBEDDINGS = 1000000
EMBEDDING_DIM = 32

def setup_inputs(seed: int = 0) -> dict:
    key = jax.random.key(seed)
    k1, k2 = jax.random.split(key)
    token_ids = jax.random.randint(k1, (16384, 50), 0, NUM_EMBEDDINGS, dtype=jnp.int64 if jax.config.read('jax_enable_x64') else jnp.int32)
    # trunc_normal(mean=0, std=1, a=-3, b=3) approximated with truncated normal
    E = jax.random.truncated_normal(k2, -3.0, 3.0, (NUM_EMBEDDINGS, EMBEDDING_DIM), dtype=jnp.float32)
    return {"token_ids": token_ids, "E": E}

def reference(token_ids, E):
    # Embedding lookup: E[token_ids, :]
    return jnp.take(E, token_ids, axis=0)

if __name__ == "__main__":
    import jax
    _d = setup_inputs()
    print(jax.jit(kernel)(*tuple(_d.values())))

</pallas_src>

<mosaic_0001>
#map = affine_map<(d0, d1) -> (0, 0, 0)>
#map1 = affine_map<(d0, d1) -> (0, 0)>
module attributes {stable_mosaic.version = 14 : i64} {
  func.func @_emb_lookup(%arg0: i32, %arg1: i32, %arg2: memref<32x200x128xi32, #tpu.memory_space<hbm>>, %arg3: memref<1000000x32xf32, #tpu.memory_space<hbm>>, %arg4: memref<819200x32xf32, #tpu.memory_space<hbm>>, %arg5: memref<200x128xi32, #tpu.memory_space<vmem>>, %arg6: memref<5x128x32xf32, #tpu.memory_space<vmem>>, %arg7: memref<5x128x32xf32, #tpu.memory_space<vmem>>, %arg8: memref<!tpu.dma_semaphore, #tpu.memory_space<semaphore_mem>>, %arg9: memref<!tpu.dma_semaphore, #tpu.memory_space<semaphore_mem>>, %arg10: memref<!tpu.dma_semaphore, #tpu.memory_space<semaphore_mem>>, %arg11: memref<!tpu.dma_semaphore, #tpu.memory_space<semaphore_mem>>) attributes {dimension_semantics = [#tpu.dimension_semantics<core_parallel>, #tpu.dimension_semantics<subcore_parallel>], iteration_bounds = array<i64: 2, 16>, scalar_prefetch = 0 : i64, scratch_operands = 7 : i64, tpu.core_type = #tpu.core_type<sc_vector_subcore>, window_params = [{transform_indices = #map}, {transform_indices = #map1}, {transform_indices = #map1}]} {
    %mul3A = arith.constant 2 : i32
    %mul3A_0 = arith.muli %arg1, %mul3A : i32
    %add3A = arith.addi %mul3A_0, %arg0 : i32
    %mul3A_1 = arith.constant 25600 : i32
    %mul3A_2 = arith.muli %add3A, %mul3A_1 : i32
    "tpu.region"() ({
      %run_scoped3A = tpu.sem_alloc : memref<!tpu.dma_semaphore, #tpu.memory_space<semaphore_mem>>
      %dma_start3A_547 = arith.constant 0 : i32
      %dma_start3A_548 = arith.constant 0 : i32
      %dma_start3A_549 = tpu.memref_slice %arg2[%add3A, %dma_start3A_547, %dma_start3A_548] : memref<32x200x128xi32, #tpu.memory_space<hbm>> -> memref<1x200x128xi32, #tpu.memory_space<hbm>>
      %dma_start3A_550 = tpu.memref_squeeze %dma_start3A_549 : memref<1x200x128xi32, #tpu.memory_space<hbm>> -> memref<200x128xi32, #tpu.memory_space<hbm>>
      %dma_start3A_551 = arith.constant 0 : i32
      %dma_start3A_552 = arith.constant 0 : i32
      %dma_start3A_553 = tpu.memref_slice %arg2[%add3A, %dma_start3A_551, %dma_start3A_552] : memref<32x200x128xi32, #tpu.memory_space<hbm>> -> memref<1x200x128xi32, #tpu.memory_space<hbm>>
      %dma_start3A_554 = tpu.memref_squeeze %dma_start3A_553 : memref<1x200x128xi32, #tpu.memory_space<hbm>> -> memref<200x128xi32, #tpu.memory_space<hbm>>
      tpu.enqueue_dma source(%dma_start3A_554 : memref<200x128xi32, #tpu.memory_space<hbm>>) target(%arg5 : memref<200x128xi32, #tpu.memory_space<vmem>>) target_semaphore(%run_scoped3A : memref<!tpu.dma_semaphore, #tpu.memory_space<semaphore_mem>>)
      %dma_wait3A_555 = arith.constant 0 : i32
      %dma_wait3A_556 = arith.constant 0 : i32
      %dma_wait3A_557 = tpu.memref_slice %arg2[%add3A, %dma_wait3A_555, %dma_wait3A_556] : memref<32x200x128xi32, #tpu.memory_space<hbm>> -> memref<1x200x128xi32, #tpu.memory_space<hbm>>
      %dma_wait3A_558 = tpu.memref_squeeze %dma_wait3A_557 : memref<1x200x128xi32, #tpu.memory_space<hbm>> -> memref<200x128xi32, #tpu.memory_space<hbm>>
      %dma_wait3A_559 = arith.constant 0 : i32
      %dma_wait3A_560 = arith.constant 0 : i32
      %dma_wait3A_561 = tpu.memref_slice %arg2[%add3A, %dma_wait3A_559, %dma_wait3A_560] : memref<32x200x128xi32, #tpu.memory_space<hbm>> -> memref<1x200x128xi32, #tpu.memory_space<hbm>>
      %dma_wait3A_562 = tpu.memref_squeeze %dma_wait3A_561 : memref<1x200x128xi32, #tpu.memory_space<hbm>> -> memref<200x128xi32, #tpu.memory_space<hbm>>
      tpu.wait_dma2 semaphore(%run_scoped3A : memref<!tpu.dma_semaphore, #tpu.memory_space<semaphore_mem>>) src(%dma_wait3A_562 : memref<200x128xi32, #tpu.memory_space<hbm>>) dst(%arg5 : memref<200x128xi32, #tpu.memory_space<vmem>>)
      tpu.yield
    }) : () -> ()
    %dma_start3A = arith.constant 0 : i32
    %dma_start3A_3 = arith.constant 0 : i32
    %dma_start3A_4 = arith.constant 0 : i32
    %dma_start3A_5 = arith.constant 0 : i32
    %dma_start3A_6 = tpu.memref_slice %arg6[%dma_start3A_3, %dma_start3A_4, %dma_start3A_5] : memref<5x128x32xf32, #tpu.memory_space<vmem>> -> memref<1x128x32xf32, #tpu.memory_space<vmem>>
    %dma_start3A_7 = tpu.memref_squeeze %dma_start3A_6 : memref<1x128x32xf32, #tpu.memory_space<vmem>> -> memref<128x32xf32, #tpu.memory_space<vmem>>
    %dma_start3A_8 = arith.constant 0 : i32
    %dma_start3A_9 = tpu.memref_slice %arg5[%dma_start3A, %dma_start3A_8] : memref<200x128xi32, #tpu.memory_space<vmem>> -> memref<1x128xi32, #tpu.memory_space<vmem>>
    %dma_start3A_10 = tpu.memref_squeeze %dma_start3A_9 : memref<1x128xi32, #tpu.memory_space<vmem>> -> memref<128xi32, #tpu.memory_space<vmem>>
    %dma_start3A_11 = arith.constant 0 : i32
    %dma_start3A_12 = arith.constant 0 : i32
    %dma_start3A_13 = tpu.memref_slice %arg3[%dma_start3A_11, %dma_start3A_12] : memref<1000000x32xf32, #tpu.memory_space<hbm>> -> memref<1000000x32xf32, #tpu.memory_space<hbm>>
    tpu.enqueue_indirect_dma source(%dma_start3A_13 : memref<1000000x32xf32, #tpu.memory_space<hbm>>) target(%dma_start3A_7 : memref<128x32xf32, #tpu.memory_space<vmem>>) offsets(%dma_start3A_10 : memref<128xi32, #tpu.memory_space<vmem>>) semaphore(%arg8 : memref<!tpu.dma_semaphore, #tpu.memory_space<semaphore_mem>>)
    %dma_start3A_14 = arith.constant 1 : i32
    %dma_start3A_15 = arith.constant 1 : i32
    %dma_start3A_16 = arith.constant 0 : i32
    %dma_start3A_17 = arith.constant 0 : i32
    %dma_start3A_18 = tpu.memref_slice %arg6[%dma_start3A_15, %dma_start3A_16, %dma_start3A_17] : memref<5x128x32xf32, #tpu.memory_space<vmem>> -> memref<1x128x32xf32, #tpu.memory_space<vmem>>
    %dma_start3A_19 = tpu.memref_squeeze %dma_start3A_18 : memref<1x128x32xf32, #tpu.memory_space<vmem>> -> memref<128x32xf32, #tpu.memory_space<vmem>>
    %dma_start3A_20 = arith.constant 0 : i32
    %dma_start3A_21 = tpu.memref_slice %arg5[%dma_start3A_14, %dma_start3A_20] : memref<200x128xi32, #tpu.memory_space<vmem>> -> memref<1x128xi32, #tpu.memory_space<vmem>>
    %dma_start3A_22 = tpu.memref_squeeze %dma_start3A_21 : memref<1x128xi32, #tpu.memory_space<vmem>> -> memref<128xi32, #tpu.memory_space<vmem>>
    %dma_start3A_23 = arith.constant 0 : i32
    %dma_start3A_24 = arith.constant 0 : i32
    %dma_start3A_25 = tpu.memref_slice %arg3[%dma_start3A_23, %dma_start3A_24] : memref<1000000x32xf32, #tpu.memory_space<hbm>> -> memref<1000000x32xf32, #tpu.memory_space<hbm>>
    tpu.enqueue_indirect_dma source(%dma_start3A_25 : memref<1000000x32xf32, #tpu.memory_space<hbm>>) target(%dma_start3A_19 : memref<128x32xf32, #tpu.memory_space<vmem>>) offsets(%dma_start3A_22 : memref<128xi32, #tpu.memory_space<vmem>>) semaphore(%arg8 : memref<!tpu.dma_semaphore, #tpu.memory_space<semaphore_mem>>)
    %dma_start3A_26 = arith.constant 2 : i32
    %dma_start3A_27 = arith.constant 2 : i32
    %dma_start3A_28 = arith.constant 0 : i32
    %dma_start3A_29 = arith.constant 0 : i32
    %dma_start3A_30 = tpu.memref_slice %arg6[%dma_start3A_27, %dma_start3A_28, %dma_start3A_29] : memref<5x128x32xf32, #tpu.memory_space<vmem>> -> memref<1x128x32xf32, #tpu.memory_space<vmem>>
    %dma_start3A_31 = tpu.memref_squeeze %dma_start3A_30 : memref<1x128x32xf32, #tpu.memory_space<vmem>> -> memref<128x32xf32, #tpu.memory_space<vmem>>
    %dma_start3A_32 = arith.constant 0 : i32
    %dma_start3A_33 = tpu.memref_slice %arg5[%dma_start3A_26, %dma_start3A_32] : memref<200x128xi32, #tpu.memory_space<vmem>> -> memref<1x128xi32, #tpu.memory_space<vmem>>
    %dma_start3A_34 = tpu.memref_squeeze %dma_start3A_33 : memref<1x128xi32, #tpu.memory_space<vmem>> -> memref<128xi32, #tpu.memory_space<vmem>>
    %dma_start3A_35 = arith.constant 0 : i32
    %dma_start3A_36 = arith.constant 0 : i32
    %dma_start3A_37 = tpu.memref_slice %arg3[%dma_start3A_35, %dma_start3A_36] : memref<1000000x32xf32, #tpu.memory_space<hbm>> -> memref<1000000x32xf32, #tpu.memory_space<hbm>>
    tpu.enqueue_indirect_dma source(%dma_start3A_37 : memref<1000000x32xf32, #tpu.memory_space<hbm>>) target(%dma_start3A_31 : memref<128x32xf32, #tpu.memory_space<vmem>>) offsets(%dma_start3A_34 : memref<128xi32, #tpu.memory_space<vmem>>) semaphore(%arg8 : memref<!tpu.dma_semaphore, #tpu.memory_space<semaphore_mem>>)
    %dma_start3A_38 = arith.constant 3 : i32
    %dma_start3A_39 = arith.constant 3 : i32
    %dma_start3A_40 = arith.constant 0 : i32
    %dma_start3A_41 = arith.constant 0 : i32
    %dma_start3A_42 = tpu.memref_slice %arg6[%dma_start3A_39, %dma_start3A_40, %dma_start3A_41] : memref<5x128x32xf32, #tpu.memory_space<vmem>> -> memref<1x128x32xf32, #tpu.memory_space<vmem>>
    %dma_start3A_43 = tpu.memref_squeeze %dma_start3A_42 : memref<1x128x32xf32, #tpu.memory_space<vmem>> -> memref<128x32xf32, #tpu.memory_space<vmem>>
    %dma_start3A_44 = arith.constant 0 : i32
    %dma_start3A_45 = tpu.memref_slice %arg5[%dma_start3A_38, %dma_start3A_44] : memref<200x128xi32, #tpu.memory_space<vmem>> -> memref<1x128xi32, #tpu.memory_space<vmem>>
    %dma_start3A_46 = tpu.memref_squeeze %dma_start3A_45 : memref<1x128xi32, #tpu.memory_space<vmem>> -> memref<128xi32, #tpu.memory_space<vmem>>
    %dma_start3A_47 = arith.constant 0 : i32
    %dma_start3A_48 = arith.constant 0 : i32
    %dma_start3A_49 = tpu.memref_slice %arg3[%dma_start3A_47, %dma_start3A_48] : memref<1000000x32xf32, #tpu.memory_space<hbm>> -> memref<1000000x32xf32, #tpu.memory_space<hbm>>
    tpu.enqueue_indirect_dma source(%dma_start3A_49 : memref<1000000x32xf32, #tpu.memory_space<hbm>>) target(%dma_start3A_43 : memref<128x32xf32, #tpu.memory_space<vmem>>) offsets(%dma_start3A_46 : memref<128xi32, #tpu.memory_space<vmem>>) semaphore(%arg8 : memref<!tpu.dma_semaphore, #tpu.memory_space<semaphore_mem>>)
    %dma_start3A_50 = arith.constant 4 : i32
    %dma_start3A_51 = arith.constant 4 : i32
    %dma_start3A_52 = arith.constant 0 : i32
    %dma_start3A_53 = arith.constant 0 : i32
    %dma_start3A_54 = tpu.memref_slice %arg6[%dma_start3A_51, %dma_start3A_52, %dma_start3A_53] : memref<5x128x32xf32, #tpu.memory_space<vmem>> -> memref<1x128x32xf32, #tpu.memory_space<vmem>>
    %dma_start3A_55 = tpu.memref_squeeze %dma_start3A_54 : memref<1x128x32xf32, #tpu.memory_space<vmem>> -> memref<128x32xf32, #tpu.memory_space<vmem>>
    %dma_start3A_56 = arith.constant 0 : i32
    %dma_start3A_57 = tpu.memref_slice %arg5[%dma_start3A_50, %dma_start3A_56] : memref<200x128xi32, #tpu.memory_space<vmem>> -> memref<1x128xi32, #tpu.memory_space<vmem>>
    %dma_start3A_58 = tpu.memref_squeeze %dma_start3A_57 : memref<1x128xi32, #tpu.memory_space<vmem>> -> memref<128xi32, #tpu.memory_space<vmem>>
    %dma_start3A_59 = arith.constant 0 : i32
    %dma_start3A_60 = arith.constant 0 : i32
    %dma_start3A_61 = tpu.memref_slice %arg3[%dma_start3A_59, %dma_start3A_60] : memref<1000000x32xf32, #tpu.memory_space<hbm>> -> memref<1000000x32xf32, #tpu.memory_space<hbm>>
    tpu.enqueue_indirect_dma source(%dma_start3A_61 : memref<1000000x32xf32, #tpu.memory_space<hbm>>) target(%dma_start3A_55 : memref<128x32xf32, #tpu.memory_space<vmem>>) offsets(%dma_start3A_58 : memref<128xi32, #tpu.memory_space<vmem>>) semaphore(%arg8 : memref<!tpu.dma_semaphore, #tpu.memory_space<semaphore_mem>>)
    %dma_start3A_62 = arith.constant 5 : i32
    %dma_start3A_63 = arith.constant 0 : i32
    %dma_start3A_64 = arith.constant 0 : i32
    %dma_start3A_65 = arith.constant 0 : i32
    %dma_start3A_66 = tpu.memref_slice %arg7[%dma_start3A_63, %dma_start3A_64, %dma_start3A_65] : memref<5x128x32xf32, #tpu.memory_space<vmem>> -> memref<1x128x32xf32, #tpu.memory_space<vmem>>
    %dma_start3A_67 = tpu.memref_squeeze %dma_start3A_66 : memref<1x128x32xf32, #tpu.memory_space<vmem>> -> memref<128x32xf32, #tpu.memory_space<vmem>>
    %dma_start3A_68 = arith.constant 0 : i32
    %dma_start3A_69 = tpu.memref_slice %arg5[%dma_start3A_62, %dma_start3A_68] : memref<200x128xi32, #tpu.memory_space<vmem>> -> memref<1x128xi32, #tpu.memory_space<vmem>>
    %dma_start3A_70 = tpu.memref_squeeze %dma_start3A_69 : memref<1x128xi32, #tpu.memory_space<vmem>> -> memref<128xi32, #tpu.memory_space<vmem>>
    %dma_start3A_71 = arith.constant 0 : i32
    %dma_start3A_72 = arith.constant 0 : i32
    %dma_start3A_73 = tpu.memref_slice %arg3[%dma_start3A_71, %dma_start3A_72] : memref<1000000x32xf32, #tpu.memory_space<hbm>> -> memref<1000000x32xf32, #tpu.memory_space<hbm>>
    tpu.enqueue_indirect_dma source(%dma_start3A_73 : memref<1000000x32xf32, #tpu.memory_space<hbm>>) target(%dma_start3A_67 : memref<128x32xf32, #tpu.memory_space<vmem>>) offsets(%dma_start3A_70 : memref<128xi32, #tpu.memory_space<vmem>>) semaphore(%arg9 : memref<!tpu.dma_semaphore, #tpu.memory_space<semaphore_mem>>)
    %dma_start3A_74 = arith.constant 6 : i32
    %dma_start3A_75 = arith.constant 1 : i32
    %dma_start3A_76 = arith.constant 0 : i32
    %dma_start3A_77 = arith.constant 0 : i32
    %dma_start3A_78 = tpu.memref_slice %arg7[%dma_start3A_75, %dma_start3A_76, %dma_start3A_77] : memref<5x128x32xf32, #tpu.memory_space<vmem>> -> memref<1x128x32xf32, #tpu.memory_space<vmem>>
    %dma_start3A_79 = tpu.memref_squeeze %dma_start3A_78 : memref<1x128x32xf32, #tpu.memory_space<vmem>> -> memref<128x32xf32, #tpu.memory_space<vmem>>
    %dma_start3A_80 = arith.constant 0 : i32
    %dma_start3A_81 = tpu.memref_slice %arg5[%dma_start3A_74, %dma_start3A_80] : memref<200x128xi32, #tpu.memory_space<vmem>> -> memref<1x128xi32, #tpu.memory_space<vmem>>
    %dma_start3A_82 = tpu.memref_squeeze %dma_start3A_81 : memref<1x128xi32, #tpu.memory_space<vmem>> -> memref<128xi32, #tpu.memory_space<vmem>>
    %dma_start3A_83 = arith.constant 0 : i32
    %dma_start3A_84 = arith.constant 0 : i32
    %dma_start3A_85 = tpu.memref_slice %arg3[%dma_start3A_83, %dma_start3A_84] : memref<1000000x32xf32, #tpu.memory_space<hbm>> -> memref<1000000x32xf32, #tpu.memory_space<hbm>>
    tpu.enqueue_indirect_dma source(%dma_start3A_85 : memref<1000000x32xf32, #tpu.memory_space<hbm>>) target(%dma_start3A_79 : memref<128x32xf32, #tpu.memory_space<vmem>>) offsets(%dma_start3A_82 : memref<128xi32, #tpu.memory_space<vmem>>) semaphore(%arg9 : memref<!tpu.dma_semaphore, #tpu.memory_space<semaphore_mem>>)
    %dma_start3A_86 = arith.constant 7 : i32
    %dma_start3A_87 = arith.constant 2 : i32
    %dma_start3A_88 = arith.constant 0 : i32
    %dma_start3A_89 = arith.constant 0 : i32
    %dma_start3A_90 = tpu.memref_slice %arg7[%dma_start3A_87, %dma_start3A_88, %dma_start3A_89] : memref<5x128x32xf32, #tpu.memory_space<vmem>> -> memref<1x128x32xf32, #tpu.memory_space<vmem>>
    %dma_start3A_91 = tpu.memref_squeeze %dma_start3A_90 : memref<1x128x32xf32, #tpu.memory_space<vmem>> -> memref<128x32xf32, #tpu.memory_space<vmem>>
    %dma_start3A_92 = arith.constant 0 : i32
    %dma_start3A_93 = tpu.memref_slice %arg5[%dma_start3A_86, %dma_start3A_92] : memref<200x128xi32, #tpu.memory_space<vmem>> -> memref<1x128xi32, #tpu.memory_space<vmem>>
    %dma_start3A_94 = tpu.memref_squeeze %dma_start3A_93 : memref<1x128xi32, #tpu.memory_space<vmem>> -> memref<128xi32, #tpu.memory_space<vmem>>
    %dma_start3A_95 = arith.constant 0 : i32
    %dma_start3A_96 = arith.constant 0 : i32
    %dma_start3A_97 = tpu.memref_slice %arg3[%dma_start3A_95, %dma_start3A_96] : memref<1000000x32xf32, #tpu.memory_space<hbm>> -> memref<1000000x32xf32, #tpu.memory_space<hbm>>
    tpu.enqueue_indirect_dma source(%dma_start3A_97 : memref<1000000x32xf32, #tpu.memory_space<hbm>>) target(%dma_start3A_91 : memref<128x32xf32, #tpu.memory_space<vmem>>) offsets(%dma_start3A_94 : memref<128xi32, #tpu.memory_space<vmem>>) semaphore(%arg9 : memref<!tpu.dma_semaphore, #tpu.memory_space<semaphore_mem>>)
    %dma_start3A_98 = arith.constant 8 : i32
    %dma_start3A_99 = arith.constant 3 : i32
    %dma_start3A_100 = arith.constant 0 : i32
    %dma_start3A_101 = arith.constant 0 : i32
    %dma_start3A_102 = tpu.memref_slice %arg7[%dma_start3A_99, %dma_start3A_100, %dma_start3A_101] : memref<5x128x32xf32, #tpu.memory_space<vmem>> -> memref<1x128x32xf32, #tpu.memory_space<vmem>>
    %dma_start3A_103 = tpu.memref_squeeze %dma_start3A_102 : memref<1x128x32xf32, #tpu.memory_space<vmem>> -> memref<128x32xf32, #tpu.memory_space<vmem>>
    %dma_start3A_104 = arith.constant 0 : i32
    %dma_start3A_105 = tpu.memref_slice %arg5[%dma_start3A_98, %dma_start3A_104] : memref<200x128xi32, #tpu.memory_space<vmem>> -> memref<1x128xi32, #tpu.memory_space<vmem>>
    %dma_start3A_106 = tpu.memref_squeeze %dma_start3A_105 : memref<1x128xi32, #tpu.memory_space<vmem>> -> memref<128xi32, #tpu.memory_space<vmem>>
    %dma_start3A_107 = arith.constant 0 : i32
    %dma_start3A_108 = arith.constant 0 : i32
    %dma_start3A_109 = tpu.memref_slice %arg3[%dma_start3A_107, %dma_start3A_108] : memref<1000000x32xf32, #tpu.memory_space<hbm>> -> memref<1000000x32xf32, #tpu.memory_space<hbm>>
    tpu.enqueue_indirect_dma source(%dma_start3A_109 : memref<1000000x32xf32, #tpu.memory_space<hbm>>) target(%dma_start3A_103 : memref<128x32xf32, #tpu.memory_space<vmem>>) offsets(%dma_start3A_106 : memref<128xi32, #tpu.memory_space<vmem>>) semaphore(%arg9 : memref<!tpu.dma_semaphore, #tpu.memory_space<semaphore_mem>>)
    %dma_start3A_110 = arith.constant 9 : i32
    %dma_start3A_111 = arith.constant 4 : i32
    %dma_start3A_112 = arith.constant 0 : i32
    %dma_start3A_113 = arith.constant 0 : i32
    %dma_start3A_114 = tpu.memref_slice %arg7[%dma_start3A_111, %dma_start3A_112, %dma_start3A_113] : memref<5x128x32xf32, #tpu.memory_space<vmem>> -> memref<1x128x32xf32, #tpu.memory_space<vmem>>
    %dma_start3A_115 = tpu.memref_squeeze %dma_start3A_114 : memref<1x128x32xf32, #tpu.memory_space<vmem>> -> memref<128x32xf32, #tpu.memory_space<vmem>>
    %dma_start3A_116 = arith.constant 0 : i32
    %dma_start3A_117 = tpu.memref_slice %arg5[%dma_start3A_110, %dma_start3A_116] : memref<200x128xi32, #tpu.memory_space<vmem>> -> memref<1x128xi32, #tpu.memory_space<vmem>>
    %dma_start3A_118 = tpu.memref_squeeze %dma_start3A_117 : memref<1x128xi32, #tpu.memory_space<vmem>> -> memref<128xi32, #tpu.memory_space<vmem>>
    %dma_start3A_119 = arith.constant 0 : i32
    %dma_start3A_120 = arith.constant 0 : i32
    %dma_start3A_121 = tpu.memref_slice %arg3[%dma_start3A_119, %dma_start3A_120] : memref<1000000x32xf32, #tpu.memory_space<hbm>> -> memref<1000000x32xf32, #tpu.memory_space<hbm>>
    tpu.enqueue_indirect_dma source(%dma_start3A_121 : memref<1000000x32xf32, #tpu.memory_space<hbm>>) target(%dma_start3A_115 : memref<128x32xf32, #tpu.memory_space<vmem>>) offsets(%dma_start3A_118 : memref<128xi32, #tpu.memory_space<vmem>>) semaphore(%arg9 : memref<!tpu.dma_semaphore, #tpu.memory_space<semaphore_mem>>)
    %dma_wait3A = arith.constant 0 : i32
    %dma_wait3A_122 = arith.constant 0 : i32
    %dma_wait3A_123 = arith.constant 0 : i32
    %dma_wait3A_124 = arith.constant 0 : i32
    %dma_wait3A_125 = tpu.memref_slice %arg6[%dma_wait3A_122, %dma_wait3A_123, %dma_wait3A_124] : memref<5x128x32xf32, #tpu.memory_space<vmem>> -> memref<1x128x32xf32, #tpu.memory_space<vmem>>
    %dma_wait3A_126 = tpu.memref_squeeze %dma_wait3A_125 : memref<1x128x32xf32, #tpu.memory_space<vmem>> -> memref<128x32xf32, #tpu.memory_space<vmem>>
    %dma_wait3A_127 = arith.constant 0 : i32
    %dma_wait3A_128 = tpu.memref_slice %arg5[%dma_wait3A, %dma_wait3A_127] : memref<200x128xi32, #tpu.memory_space<vmem>> -> memref<1x128xi32, #tpu.memory_space<vmem>>
    %dma_wait3A_129 = tpu.memref_squeeze %dma_wait3A_128 : memref<1x128xi32, #tpu.memory_space<vmem>> -> memref<128xi32, #tpu.memory_space<vmem>>
    %dma_wait3A_130 = arith.constant 0 : i32
    %dma_wait3A_131 = arith.constant 0 : i32
    %dma_wait3A_132 = tpu.memref_slice %arg3[%dma_wait3A_130, %dma_wait3A_131] : memref<1000000x32xf32, #tpu.memory_space<hbm>> -> memref<1000000x32xf32, #tpu.memory_space<hbm>>
    tpu.wait_indirect_dma semaphore(%arg8 : memref<!tpu.dma_semaphore, #tpu.memory_space<semaphore_mem>>) src(%dma_wait3A_132 : memref<1000000x32xf32, #tpu.memory_space<hbm>>) dst(%dma_wait3A_126 : memref<128x32xf32, #tpu.memory_space<vmem>>)
    %dma_wait3A_133 = arith.constant 1 : i32
    %dma_wait3A_134 = arith.constant 1 : i32
    %dma_wait3A_135 = arith.constant 0 : i32
    %dma_wait3A_136 = arith.constant 0 : i32
    %dma_wait3A_137 = tpu.memref_slice %arg6[%dma_wait3A_134, %dma_wait3A_135, %dma_wait3A_136] : memref<5x128x32xf32, #tpu.memory_space<vmem>> -> memref<1x128x32xf32, #tpu.memory_space<vmem>>
    %dma_wait3A_138 = tpu.memref_squeeze %dma_wait3A_137 : memref<1x128x32xf32, #tpu.memory_space<vmem>> -> memref<128x32xf32, #tpu.memory_space<vmem>>
    %dma_wait3A_139 = arith.constant 0 : i32
    %dma_wait3A_140 = tpu.memref_slice %arg5[%dma_wait3A_133, %dma_wait3A_139] : memref<200x128xi32, #tpu.memory_space<vmem>> -> memref<1x128xi32, #tpu.memory_space<vmem>>
    %dma_wait3A_141 = tpu.memref_squeeze %dma_wait3A_140 : memref<1x128xi32, #tpu.memory_space<vmem>> -> memref<128xi32, #tpu.memory_space<vmem>>
    %dma_wait3A_142 = arith.constant 0 : i32
    %dma_wait3A_143 = arith.constant 0 : i32
    %dma_wait3A_144 = tpu.memref_slice %arg3[%dma_wait3A_142, %dma_wait3A_143] : memref<1000000x32xf32, #tpu.memory_space<hbm>> -> memref<1000000x32xf32, #tpu.memory_space<hbm>>
    tpu.wait_indirect_dma semaphore(%arg8 : memref<!tpu.dma_semaphore, #tpu.memory_space<semaphore_mem>>) src(%dma_wait3A_144 : memref<1000000x32xf32, #tpu.memory_space<hbm>>) dst(%dma_wait3A_138 : memref<128x32xf32, #tpu.memory_space<vmem>>)
    %dma_wait3A_145 = arith.constant 2 : i32
    %dma_wait3A_146 = arith.constant 2 : i32
    %dma_wait3A_147 = arith.constant 0 : i32
    %dma_wait3A_148 = arith.constant 0 : i32
    %dma_wait3A_149 = tpu.memref_slice %arg6[%dma_wait3A_146, %dma_wait3A_147, %dma_wait3A_148] : memref<5x128x32xf32, #tpu.memory_space<vmem>> -> memref<1x128x32xf32, #tpu.memory_space<vmem>>
    %dma_wait3A_150 = tpu.memref_squeeze %dma_wait3A_149 : memref<1x128x32xf32, #tpu.memory_space<vmem>> -> memref<128x32xf32, #tpu.memory_space<vmem>>
    %dma_wait3A_151 = arith.constant 0 : i32
    %dma_wait3A_152 = tpu.memref_slice %arg5[%dma_wait3A_145, %dma_wait3A_151] : memref<200x128xi32, #tpu.memory_space<vmem>> -> memref<1x128xi32, #tpu.memory_space<vmem>>
    %dma_wait3A_153 = tpu.memref_squeeze %dma_wait3A_152 : memref<1x128xi32, #tpu.memory_space<vmem>> -> memref<128xi32, #tpu.memory_space<vmem>>
    %dma_wait3A_154 = arith.constant 0 : i32
    %dma_wait3A_155 = arith.constant 0 : i32
    %dma_wait3A_156 = tpu.memref_slice %arg3[%dma_wait3A_154, %dma_wait3A_155] : memref<1000000x32xf32, #tpu.memory_space<hbm>> -> memref<1000000x32xf32, #tpu.memory_space<hbm>>
    tpu.wait_indirect_dma semaphore(%arg8 : memref<!tpu.dma_semaphore, #tpu.memory_space<semaphore_mem>>) src(%dma_wait3A_156 : memref<1000000x32xf32, #tpu.memory_space<hbm>>) dst(%dma_wait3A_150 : memref<128x32xf32, #tpu.memory_space<vmem>>)
    %dma_wait3A_157 = arith.constant 3 : i32
    %dma_wait3A_158 = arith.constant 3 : i32
    %dma_wait3A_159 = arith.constant 0 : i32
    %dma_wait3A_160 = arith.constant 0 : i32
    %dma_wait3A_161 = tpu.memref_slice %arg6[%dma_wait3A_158, %dma_wait3A_159, %dma_wait3A_160] : memref<5x128x32xf32, #tpu.memory_space<vmem>> -> memref<1x128x32xf32, #tpu.memory_space<vmem>>
    %dma_wait3A_162 = tpu.memref_squeeze %dma_wait3A_161 : memref<1x128x32xf32, #tpu.memory_space<vmem>> -> memref<128x32xf32, #tpu.memory_space<vmem>>
    %dma_wait3A_163 = arith.constant 0 : i32
    %dma_wait3A_164 = tpu.memref_slice %arg5[%dma_wait3A_157, %dma_wait3A_163] : memref<200x128xi32, #tpu.memory_space<vmem>> -> memref<1x128xi32, #tpu.memory_space<vmem>>
    %dma_wait3A_165 = tpu.memref_squeeze %dma_wait3A_164 : memref<1x128xi32, #tpu.memory_space<vmem>> -> memref<128xi32, #tpu.memory_space<vmem>>
    %dma_wait3A_166 = arith.constant 0 : i32
    %dma_wait3A_167 = arith.constant 0 : i32
    %dma_wait3A_168 = tpu.memref_slice %arg3[%dma_wait3A_166, %dma_wait3A_167] : memref<1000000x32xf32, #tpu.memory_space<hbm>> -> memref<1000000x32xf32, #tpu.memory_space<hbm>>
    tpu.wait_indirect_dma semaphore(%arg8 : memref<!tpu.dma_semaphore, #tpu.memory_space<semaphore_mem>>) src(%dma_wait3A_168 : memref<1000000x32xf32, #tpu.memory_space<hbm>>) dst(%dma_wait3A_162 : memref<128x32xf32, #tpu.memory_space<vmem>>)
    %dma_wait3A_169 = arith.constant 4 : i32
    %dma_wait3A_170 = arith.constant 4 : i32
    %dma_wait3A_171 = arith.constant 0 : i32
    %dma_wait3A_172 = arith.constant 0 : i32
    %dma_wait3A_173 = tpu.memref_slice %arg6[%dma_wait3A_170, %dma_wait3A_171, %dma_wait3A_172] : memref<5x128x32xf32, #tpu.memory_space<vmem>> -> memref<1x128x32xf32, #tpu.memory_space<vmem>>
    %dma_wait3A_174 = tpu.memref_squeeze %dma_wait3A_173 : memref<1x128x32xf32, #tpu.memory_space<vmem>> -> memref<128x32xf32, #tpu.memory_space<vmem>>
    %dma_wait3A_175 = arith.constant 0 : i32
    %dma_wait3A_176 = tpu.memref_slice %arg5[%dma_wait3A_169, %dma_wait3A_175] : memref<200x128xi32, #tpu.memory_space<vmem>> -> memref<1x128xi32, #tpu.memory_space<vmem>>
    %dma_wait3A_177 = tpu.memref_squeeze %dma_wait3A_176 : memref<1x128xi32, #tpu.memory_space<vmem>> -> memref<128xi32, #tpu.memory_space<vmem>>
    %dma_wait3A_178 = arith.constant 0 : i32
    %dma_wait3A_179 = arith.constant 0 : i32
    %dma_wait3A_180 = tpu.memref_slice %arg3[%dma_wait3A_178, %dma_wait3A_179] : memref<1000000x32xf32, #tpu.memory_space<hbm>> -> memref<1000000x32xf32, #tpu.memory_space<hbm>>
    tpu.wait_indirect_dma semaphore(%arg8 : memref<!tpu.dma_semaphore, #tpu.memory_space<semaphore_mem>>) src(%dma_wait3A_180 : memref<1000000x32xf32, #tpu.memory_space<hbm>>) dst(%dma_wait3A_174 : memref<128x32xf32, #tpu.memory_space<vmem>>)
    %add3A_181 = arith.constant 0 : i32
    %add3A_182 = arith.addi %mul3A_2, %add3A_181 : i32
    %dma_start3A_183 = arith.constant 0 : i32
    %dma_start3A_184 = arith.constant 0 : i32
    %dma_start3A_185 = arith.constant 0 : i32
    %dma_start3A_186 = tpu.memref_slice %arg6[%dma_start3A_183, %dma_start3A_184, %dma_start3A_185] : memref<5x128x32xf32, #tpu.memory_space<vmem>> -> memref<1x128x32xf32, #tpu.memory_space<vmem>>
    %dma_start3A_187 = tpu.memref_squeeze %dma_start3A_186 : memref<1x128x32xf32, #tpu.memory_space<vmem>> -> memref<128x32xf32, #tpu.memory_space<vmem>>
    %dma_start3A_188 = arith.constant 0 : i32
    %dma_start3A_189 = tpu.memref_slice %arg4[%add3A_182, %dma_start3A_188] : memref<819200x32xf32, #tpu.memory_space<hbm>> -> memref<128x32xf32, #tpu.memory_space<hbm>>
    %dma_start3A_190 = arith.constant 0 : i32
    %dma_start3A_191 = tpu.memref_slice %arg4[%add3A_182, %dma_start3A_190] : memref<819200x32xf32, #tpu.memory_space<hbm>> -> memref<128x32xf32, #tpu.memory_space<hbm>>
    %dma_start3A_192 = arith.constant 0 : i32
    %dma_start3A_193 = arith.constant 0 : i32
    %dma_start3A_194 = tpu.memref_slice %arg6[%dma_start3A_183, %dma_start3A_192, %dma_start3A_193] : memref<5x128x32xf32, #tpu.memory_space<vmem>> -> memref<1x128x32xf32, #tpu.memory_space<vmem>>
    %dma_start3A_195 = tpu.memref_squeeze %dma_start3A_194 : memref<1x128x32xf32, #tpu.memory_space<vmem>> -> memref<128x32xf32, #tpu.memory_space<vmem>>
    tpu.enqueue_dma source(%dma_start3A_195 : memref<128x32xf32, #tpu.memory_space<vmem>>) target(%dma_start3A_191 : memref<128x32xf32, #tpu.memory_space<hbm>>) target_semaphore(%arg10 : memref<!tpu.dma_semaphore, #tpu.memory_space<semaphore_mem>>)
    %add3A_196 = arith.constant 128 : i32
    %add3A_197 = arith.addi %mul3A_2, %add3A_196 : i32
    %dma_start3A_198 = arith.constant 1 : i32
    %dma_start3A_199 = arith.constant 0 : i32
    %dma_start3A_200 = arith.constant 0 : i32
    %dma_start3A_201 = tpu.memref_slice %arg6[%dma_start3A_198, %dma_start3A_199, %dma_start3A_200] : memref<5x128x32xf32, #tpu.memory_space<vmem>> -> memref<1x128x32xf32, #tpu.memory_space<vmem>>
    %dma_start3A_202 = tpu.memref_squeeze %dma_start3A_201 : memref<1x128x32xf32, #tpu.memory_space<vmem>> -> memref<128x32xf32, #tpu.memory_space<vmem>>
    %dma_start3A_203 = arith.constant 0 : i32
    %dma_start3A_204 = tpu.memref_slice %arg4[%add3A_197, %dma_start3A_203] : memref<819200x32xf32, #tpu.memory_space<hbm>> -> memref<128x32xf32, #tpu.memory_space<hbm>>
    %dma_start3A_205 = arith.constant 0 : i32
    %dma_start3A_206 = tpu.memref_slice %arg4[%add3A_197, %dma_start3A_205] : memref<819200x32xf32, #tpu.memory_space<hbm>> -> memref<128x32xf32, #tpu.memory_space<hbm>>
    %dma_start3A_207 = arith.constant 0 : i32
    %dma_start3A_208 = arith.constant 0 : i32
    %dma_start3A_209 = tpu.memref_slice %arg6[%dma_start3A_198, %dma_start3A_207, %dma_start3A_208] : memref<5x128x32xf32, #tpu.memory_space<vmem>> -> memref<1x128x32xf32, #tpu.memory_space<vmem>>
    %dma_start3A_210 = tpu.memref_squeeze %dma_start3A_209 : memref<1x128x32xf32, #tpu.memory_space<vmem>> -> memref<128x32xf32, #tpu.memory_space<vmem>>
    tpu.enqueue_dma source(%dma_start3A_210 : memref<128x32xf32, #tpu.memory_space<vmem>>) target(%dma_start3A_206 : memref<128x32xf32, #tpu.memory_space<hbm>>) target_semaphore(%arg10 : memref<!tpu.dma_semaphore, #tpu.memory_space<semaphore_mem>>)
    %add3A_211 = arith.constant 256 : i32
    %add3A_212 = arith.addi %mul3A_2, %add3A_211 : i32
    %dma_start3A_213 = arith.constant 2 : i32
    %dma_start3A_214 = arith.constant 0 : i32
    %dma_start3A_215 = arith.constant 0 : i32
    %dma_start3A_216 = tpu.memref_slice %arg6[%dma_start3A_213, %dma_start3A_214, %dma_start3A_215] : memref<5x128x32xf32, #tpu.memory_space<vmem>> -> memref<1x128x32xf32, #tpu.memory_space<vmem>>
    %dma_start3A_217 = tpu.memref_squeeze %dma_start3A_216 : memref<1x128x32xf32, #tpu.memory_space<vmem>> -> memref<128x32xf32, #tpu.memory_space<vmem>>
    %dma_start3A_218 = arith.constant 0 : i32
    %dma_start3A_219 = tpu.memref_slice %arg4[%add3A_212, %dma_start3A_218] : memref<819200x32xf32, #tpu.memory_space<hbm>> -> memref<128x32xf32, #tpu.memory_space<hbm>>
    %dma_start3A_220 = arith.constant 0 : i32
    %dma_start3A_221 = tpu.memref_slice %arg4[%add3A_212, %dma_start3A_220] : memref<819200x32xf32, #tpu.memory_space<hbm>> -> memref<128x32xf32, #tpu.memory_space<hbm>>
    %dma_start3A_222 = arith.constant 0 : i32
    %dma_start3A_223 = arith.constant 0 : i32
    %dma_start3A_224 = tpu.memref_slice %arg6[%dma_start3A_213, %dma_start3A_222, %dma_start3A_223] : memref<5x128x32xf32, #tpu.memory_space<vmem>> -> memref<1x128x32xf32, #tpu.memory_space<vmem>>
    %dma_start3A_225 = tpu.memref_squeeze %dma_start3A_224 : memref<1x128x32xf32, #tpu.memory_space<vmem>> -> memref<128x32xf32, #tpu.memory_space<vmem>>
    tpu.enqueue_dma source(%dma_start3A_225 : memref<128x32xf32, #tpu.memory_space<vmem>>) target(%dma_start3A_221 : memref<128x32xf32, #tpu.memory_space<hbm>>) target_semaphore(%arg10 : memref<!tpu.dma_semaphore, #tpu.memory_space<semaphore_mem>>)
    %add3A_226 = arith.constant 384 : i32
    %add3A_227 = arith.addi %mul3A_2, %add3A_226 : i32
    %dma_start3A_228 = arith.constant 3 : i32
    %dma_start3A_229 = arith.constant 0 : i32
    %dma_start3A_230 = arith.constant 0 : i32
    %dma_start3A_231 = tpu.memref_slice %arg6[%dma_start3A_228, %dma_start3A_229, %dma_start3A_230] : memref<5x128x32xf32, #tpu.memory_space<vmem>> -> memref<1x128x32xf32, #tpu.memory_space<vmem>>
    %dma_start3A_232 = tpu.memref_squeeze %dma_start3A_231 : memref<1x128x32xf32, #tpu.memory_space<vmem>> -> memref<128x32xf32, #tpu.memory_space<vmem>>
    %dma_start3A_233 = arith.constant 0 : i32
    %dma_start3A_234 = tpu.memref_slice %arg4[%add3A_227, %dma_start3A_233] : memref<819200x32xf32, #tpu.memory_space<hbm>> -> memref<128x32xf32, #tpu.memory_space<hbm>>
    %dma_start3A_235 = arith.constant 0 : i32
    %dma_start3A_236 = tpu.memref_slice %arg4[%add3A_227, %dma_start3A_235] : memref<819200x32xf32, #tpu.memory_space<hbm>> -> memref<128x32xf32, #tpu.memory_space<hbm>>
    %dma_start3A_237 = arith.constant 0 : i32
    %dma_start3A_238 = arith.constant 0 : i32
    %dma_start3A_239 = tpu.memref_slice %arg6[%dma_start3A_228, %dma_start3A_237, %dma_start3A_238] : memref<5x128x32xf32, #tpu.memory_space<vmem>> -> memref<1x128x32xf32, #tpu.memory_space<vmem>>
    %dma_start3A_240 = tpu.memref_squeeze %dma_start3A_239 : memref<1x128x32xf32, #tpu.memory_space<vmem>> -> memref<128x32xf32, #tpu.memory_space<vmem>>
    tpu.enqueue_dma source(%dma_start3A_240 : memref<128x32xf32, #tpu.memory_space<vmem>>) target(%dma_start3A_236 : memref<128x32xf32, #tpu.memory_space<hbm>>) target_semaphore(%arg10 : memref<!tpu.dma_semaphore, #tpu.memory_space<semaphore_mem>>)
    %add3A_241 = arith.constant 512 : i32
    %add3A_242 = arith.addi %mul3A_2, %add3A_241 : i32
    %dma_start3A_243 = arith.constant 4 : i32
    %dma_start3A_244 = arith.constant 0 : i32
    %dma_start3A_245 = arith.constant 0 : i32
    %dma_start3A_246 = tpu.memref_slice %arg6[%dma_start3A_243, %dma_start3A_244, %dma_start3A_245] : memref<5x128x32xf32, #tpu.memory_space<vmem>> -> memref<1x128x32xf32, #tpu.memory_space<vmem>>
    %dma_start3A_247 = tpu.memref_squeeze %dma_start3A_246 : memref<1x128x32xf32, #tpu.memory_space<vmem>> -> memref<128x32xf32, #tpu.memory_space<vmem>>
    %dma_start3A_248 = arith.constant 0 : i32
    %dma_start3A_249 = tpu.memref_slice %arg4[%add3A_242, %dma_start3A_248] : memref<819200x32xf32, #tpu.memory_space<hbm>> -> memref<128x32xf32, #tpu.memory_space<hbm>>
    %dma_start3A_250 = arith.constant 0 : i32
    %dma_start3A_251 = tpu.memref_slice %arg4[%add3A_242, %dma_start3A_250] : memref<819200x32xf32, #tpu.memory_space<hbm>> -> memref<128x32xf32, #tpu.memory_space<hbm>>
    %dma_start3A_252 = arith.constant 0 : i32
    %dma_start3A_253 = arith.constant 0 : i32
    %dma_start3A_254 = tpu.memref_slice %arg6[%dma_start3A_243, %dma_start3A_252, %dma_start3A_253] : memref<5x128x32xf32, #tpu.memory_space<vmem>> -> memref<1x128x32xf32, #tpu.memory_space<vmem>>
    %dma_start3A_255 = tpu.memref_squeeze %dma_start3A_254 : memref<1x128x32xf32, #tpu.memory_space<vmem>> -> memref<128x32xf32, #tpu.memory_space<vmem>>
    tpu.enqueue_dma source(%dma_start3A_255 : memref<128x32xf32, #tpu.memory_space<vmem>>) target(%dma_start3A_251 : memref<128x32xf32, #tpu.memory_space<hbm>>) target_semaphore(%arg10 : memref<!tpu.dma_semaphore, #tpu.memory_space<semaphore_mem>>)
    %scan3A = arith.constant 0 : i32
    %scan3A_256 = arith.constant 0 : i32
    %scan3A_257 = arith.constant 19 : i32
    %scan3A_258 = arith.addi %scan3A_256, %scan3A_257 : i32
    %scan3A_259 = arith.constant 1 : i32
    %scan3A_260 = scf.for %scan3A_547 = %scan3A_256 to %scan3A_258 step %scan3A_259 iter_args(%scan3A_548 = %scan3A) -> (i32)  : i32 {
      %mul3A_549 = arith.constant 2 : i32
      %mul3A_550 = arith.muli %mul3A_549, %scan3A_547 : i32
      %add3A_551 = arith.constant 1 : i32
      %add3A_552 = arith.addi %mul3A_550, %add3A_551 : i32
      %sub3A = arith.constant 1 : i32
      %sub3A_553 = arith.subi %add3A_552, %sub3A : i32
      %mul3A_554 = arith.constant 5 : i32
      %mul3A_555 = arith.muli %sub3A_553, %mul3A_554 : i32
      %add3A_556 = arith.constant 0 : i32
      %add3A_557 = arith.addi %mul3A_555, %add3A_556 : i32
      %mul3A_558 = arith.constant 128 : i32
      %mul3A_559 = arith.muli %add3A_557, %mul3A_558 : i32
      %add3A_560 = arith.addi %mul3A_2, %mul3A_559 : i32
      %dma_wait3A_561 = arith.constant 0 : i32
      %dma_wait3A_562 = arith.constant 0 : i32
      %dma_wait3A_563 = arith.constant 0 : i32
      %dma_wait3A_564 = tpu.memref_slice %arg6[%dma_wait3A_561, %dma_wait3A_562, %dma_wait3A_563] : memref<5x128x32xf32, #tpu.memory_space<vmem>> -> memref<1x128x32xf32, #tpu.memory_space<vmem>>
      %dma_wait3A_565 = tpu.memref_squeeze %dma_wait3A_564 : memref<1x128x32xf32, #tpu.memory_space<vmem>> -> memref<128x32xf32, #tpu.memory_space<vmem>>
      %dma_wait3A_566 = arith.constant 0 : i32
      %dma_wait3A_567 = tpu.memref_slice %arg4[%add3A_560, %dma_wait3A_566] : memref<819200x32xf32, #tpu.memory_space<hbm>> -> memref<128x32xf32, #tpu.memory_space<hbm>>
      %dma_wait3A_568 = arith.constant 0 : i32
      %dma_wait3A_569 = tpu.memref_slice %arg4[%add3A_560, %dma_wait3A_568] : memref<819200x32xf32, #tpu.memory_space<hbm>> -> memref<128x32xf32, #tpu.memory_space<hbm>>
      %dma_wait3A_570 = arith.constant 0 : i32
      %dma_wait3A_571 = arith.constant 0 : i32
      %dma_wait3A_572 = tpu.memref_slice %arg6[%dma_wait3A_561, %dma_wait3A_570, %dma_wait3A_571] : memref<5x128x32xf32, #tpu.memory_space<vmem>> -> memref<1x128x32xf32, #tpu.memory_space<vmem>>
      %dma_wait3A_573 = tpu.memref_squeeze %dma_wait3A_572 : memref<1x128x32xf32, #tpu.memory_space<vmem>> -> memref<128x32xf32, #tpu.memory_space<vmem>>
      tpu.wait_dma2 semaphore(%arg10 : memref<!tpu.dma_semaphore, #tpu.memory_space<semaphore_mem>>) src(%dma_wait3A_573 : memref<128x32xf32, #tpu.memory_space<vmem>>) dst(%dma_wait3A_569 : memref<128x32xf32, #tpu.memory_space<hbm>>)
      %mul3A_574 = arith.constant 5 : i32
      %mul3A_575 = arith.muli %sub3A_553, %mul3A_574 : i32
      %add3A_576 = arith.constant 1 : i32
      %add3A_577 = arith.addi %mul3A_575, %add3A_576 : i32
      %mul3A_578 = arith.constant 128 : i32
      %mul3A_579 = arith.muli %add3A_577, %mul3A_578 : i32
      %add3A_580 = arith.addi %mul3A_2, %mul3A_579 : i32
      %dma_wait3A_581 = arith.constant 1 : i32
      %dma_wait3A_582 = arith.constant 0 : i32
      %dma_wait3A_583 = arith.constant 0 : i32
      %dma_wait3A_584 = tpu.memref_slice %arg6[%dma_wait3A_581, %dma_wait3A_582, %dma_wait3A_583] : memref<5x128x32xf32, #tpu.memory_space<vmem>> -> memref<1x128x32xf32, #tpu.memory_space<vmem>>
      %dma_wait3A_585 = tpu.memref_squeeze %dma_wait3A_584 : memref<1x128x32xf32, #tpu.memory_space<vmem>> -> memref<128x32xf32, #tpu.memory_space<vmem>>
      %dma_wait3A_586 = arith.constant 0 : i32
      %dma_wait3A_587 = tpu.memref_slice %arg4[%add3A_580, %dma_wait3A_586] : memref<819200x32xf32, #tpu.memory_space<hbm>> -> memref<128x32xf32, #tpu.memory_space<hbm>>
      %dma_wait3A_588 = arith.constant 0 : i32
      %dma_wait3A_589 = tpu.memref_slice %arg4[%add3A_580, %dma_wait3A_588] : memref<819200x32xf32, #tpu.memory_space<hbm>> -> memref<128x32xf32, #tpu.memory_space<hbm>>
      %dma_wait3A_590 = arith.constant 0 : i32
      %dma_wait3A_591 = arith.constant 0 : i32
      %dma_wait3A_592 = tpu.memref_slice %arg6[%dma_wait3A_581, %dma_wait3A_590, %dma_wait3A_591] : memref<5x128x32xf32, #tpu.memory_space<vmem>> -> memref<1x128x32xf32, #tpu.memory_space<vmem>>
      %dma_wait3A_593 = tpu.memref_squeeze %dma_wait3A_592 : memref<1x128x32xf32, #tpu.memory_space<vmem>> -> memref<128x32xf32, #tpu.memory_space<vmem>>
      tpu.wait_dma2 semaphore(%arg10 : memref<!tpu.dma_semaphore, #tpu.memory_space<semaphore_mem>>) src(%dma_wait3A_593 : memref<128x32xf32, #tpu.memory_space<vmem>>) dst(%dma_wait3A_589 : memref<128x32xf32, #tpu.memory_space<hbm>>)
      %mul3A_594 = arith.constant 5 : i32
      %mul3A_595 = arith.muli %sub3A_553, %mul3A_594 : i32
      %add3A_596 = arith.constant 2 : i32
      %add3A_597 = arith.addi %mul3A_595, %add3A_596 : i32
      %mul3A_598 = arith.constant 128 : i32
      %mul3A_599 = arith.muli %add3A_597, %mul3A_598 : i32
      %add3A_600 = arith.addi %mul3A_2, %mul3A_599 : i32
      %dma_wait3A_601 = arith.constant 2 : i32
      %dma_wait3A_602 = arith.constant 0 : i32
      %dma_wait3A_603 = arith.constant 0 : i32
      %dma_wait3A_604 = tpu.memref_slice %arg6[%dma_wait3A_601, %dma_wait3A_602, %dma_wait3A_603] : memref<5x128x32xf32, #tpu.memory_space<vmem>> -> memref<1x128x32xf32, #tpu.memory_space<vmem>>
      %dma_wait3A_605 = tpu.memref_squeeze %dma_wait3A_604 : memref<1x128x32xf32, #tpu.memory_space<vmem>> -> memref<128x32xf32, #tpu.memory_space<vmem>>
      %dma_wait3A_606 = arith.constant 0 : i32
      %dma_wait3A_607 = tpu.memref_slice %arg4[%add3A_600, %dma_wait3A_606] : memref<819200x32xf32, #tpu.memory_space<hbm>> -> memref<128x32xf32, #tpu.memory_space<hbm>>
      %dma_wait3A_608 = arith.constant 0 : i32
      %dma_wait3A_609 = tpu.memref_slice %arg4[%add3A_600, %dma_wait3A_608] : memref<819200x32xf32, #tpu.memory_space<hbm>> -> memref<128x32xf32, #tpu.memory_space<hbm>>
      %dma_wait3A_610 = arith.constant 0 : i32
      %dma_wait3A_611 = arith.constant 0 : i32
      %dma_wait3A_612 = tpu.memref_slice %arg6[%dma_wait3A_601, %dma_wait3A_610, %dma_wait3A_611] : memref<5x128x32xf32, #tpu.memory_space<vmem>> -> memref<1x128x32xf32, #tpu.memory_space<vmem>>
      %dma_wait3A_613 = tpu.memref_squeeze %dma_wait3A_612 : memref<1x128x32xf32, #tpu.memory_space<vmem>> -> memref<128x32xf32, #tpu.memory_space<vmem>>
      tpu.wait_dma2 semaphore(%arg10 : memref<!tpu.dma_semaphore, #tpu.memory_space<semaphore_mem>>) src(%dma_wait3A_613 : memref<128x32xf32, #tpu.memory_space<vmem>>) dst(%dma_wait3A_609 : memref<128x32xf32, #tpu.memory_space<hbm>>)
      %mul3A_614 = arith.constant 5 : i32
      %mul3A_615 = arith.muli %sub3A_553, %mul3A_614 : i32
      %add3A_616 = arith.constant 3 : i32
      %add3A_617 = arith.addi %mul3A_615, %add3A_616 : i32
      %mul3A_618 = arith.constant 128 : i32
      %mul3A_619 = arith.muli %add3A_617, %mul3A_618 : i32
      %add3A_620 = arith.addi %mul3A_2, %mul3A_619 : i32
      %dma_wait3A_621 = arith.constant 3 : i32
      %dma_wait3A_622 = arith.constant 0 : i32
      %dma_wait3A_623 = arith.constant 0 : i32
      %dma_wait3A_624 = tpu.memref_slice %arg6[%dma_wait3A_621, %dma_wait3A_622, %dma_wait3A_623] : memref<5x128x32xf32, #tpu.memory_space<vmem>> -> memref<1x128x32xf32, #tpu.memory_space<vmem>>
      %dma_wait3A_625 = tpu.memref_squeeze %dma_wait3A_624 : memref<1x128x32xf32, #tpu.memory_space<vmem>> -> memref<128x32xf32, #tpu.memory_space<vmem>>
      %dma_wait3A_626 = arith.constant 0 : i32
      %dma_wait3A_627 = tpu.memref_slice %arg4[%add3A_620, %dma_wait3A_626] : memref<819200x32xf32, #tpu.memory_space<hbm>> -> memref<128x32xf32, #tpu.memory_space<hbm>>
      %dma_wait3A_628 = arith.constant 0 : i32
      %dma_wait3A_629 = tpu.memref_slice %arg4[%add3A_620, %dma_wait3A_628] : memref<819200x32xf32, #tpu.memory_space<hbm>> -> memref<128x32xf32, #tpu.memory_space<hbm>>
      %dma_wait3A_630 = arith.constant 0 : i32
      %dma_wait3A_631 = arith.constant 0 : i32
      %dma_wait3A_632 = tpu.memref_slice %arg6[%dma_wait3A_621, %dma_wait3A_630, %dma_wait3A_631] : memref<5x128x32xf32, #tpu.memory_space<vmem>> -> memref<1x128x32xf32, #tpu.memory_space<vmem>>
      %dma_wait3A_633 = tpu.memref_squeeze %dma_wait3A_632 : memref<1x128x32xf32, #tpu.memory_space<vmem>> -> memref<128x32xf32, #tpu.memory_space<vmem>>
      tpu.wait_dma2 semaphore(%arg10 : memref<!tpu.dma_semaphore, #tpu.memory_space<semaphore_mem>>) src(%dma_wait3A_633 : memref<128x32xf32, #tpu.memory_space<vmem>>) dst(%dma_wait3A_629 : memref<128x32xf32, #tpu.memory_space<hbm>>)
      %mul3A_634 = arith.constant 5 : i32
      %mul3A_635 = arith.muli %sub3A_553, %mul3A_634 : i32
      %add3A_636 = arith.constant 4 : i32
      %add3A_637 = arith.addi %mul3A_635, %add3A_636 : i32
      %mul3A_638 = arith.constant 128 : i32
      %mul3A_639 = arith.muli %add3A_637, %mul3A_638 : i32
      %add3A_640 = arith.addi %mul3A_2, %mul3A_639 : i32
      %dma_wait3A_641 = arith.constant 4 : i32
      %dma_wait3A_642 = arith.constant 0 : i32
      %dma_wait3A_643 = arith.constant 0 : i32
      %dma_wait3A_644 = tpu.memref_slice %arg6[%dma_wait3A_641, %dma_wait3A_642, %dma_wait3A_643] : memref<5x128x32xf32, #tpu.memory_space<vmem>> -> memref<1x128x32xf32, #tpu.memory_space<vmem>>
      %dma_wait3A_645 = tpu.memref_squeeze %dma_wait3A_644 : memref<1x128x32xf32, #tpu.memory_space<vmem>> -> memref<128x32xf32, #tpu.memory_space<vmem>>
      %dma_wait3A_646 = arith.constant 0 : i32
      %dma_wait3A_647 = tpu.memref_slice %arg4[%add3A_640, %dma_wait3A_646] : memref<819200x32xf32, #tpu.memory_space<hbm>> -> memref<128x32xf32, #tpu.memory_space<hbm>>
      %dma_wait3A_648 = arith.constant 0 : i32
      %dma_wait3A_649 = tpu.memref_slice %arg4[%add3A_640, %dma_wait3A_648] : memref<819200x32xf32, #tpu.memory_space<hbm>> -> memref<128x32xf32, #tpu.memory_space<hbm>>
      %dma_wait3A_650 = arith.constant 0 : i32
      %dma_wait3A_651 = arith.constant 0 : i32
      %dma_wait3A_652 = tpu.memref_slice %arg6[%dma_wait3A_641, %dma_wait3A_650, %dma_wait3A_651] : memref<5x128x32xf32, #tpu.memory_space<vmem>> -> memref<1x128x32xf32, #tpu.memory_space<vmem>>
      %dma_wait3A_653 = tpu.memref_squeeze %dma_wait3A_652 : memref<1x128x32xf32, #tpu.memory_space<vmem>> -> memref<128x32xf32, #tpu.memory_space<vmem>>
      tpu.wait_dma2 semaphore(%arg10 : memref<!tpu.dma_semaphore, #tpu.memory_space<semaphore_mem>>) src(%dma_wait3A_653 : memref<128x32xf32, #tpu.memory_space<vmem>>) dst(%dma_wait3A_649 : memref<128x32xf32, #tpu.memory_space<hbm>>)
      %add3A_654 = arith.constant 1 : i32
      %add3A_655 = arith.addi %add3A_552, %add3A_654 : i32
      %mul3A_656 = arith.constant 5 : i32
      %mul3A_657 = arith.muli %add3A_655, %mul3A_656 : i32
      %add3A_658 = arith.constant 0 : i32
      %add3A_659 = arith.addi %mul3A_657, %add3A_658 : i32
      %dma_start3A_660 = arith.constant 0 : i32
      %dma_start3A_661 = arith.constant 0 : i32
      %dma_start3A_662 = arith.constant 0 : i32
      %dma_start3A_663 = tpu.memref_slice %arg6[%dma_start3A_660, %dma_start3A_661, %dma_start3A_662] : memref<5x128x32xf32, #tpu.memory_space<vmem>> -> memref<1x128x32xf32, #tpu.memory_space<vmem>>
      %dma_start3A_664 = tpu.memref_squeeze %dma_start3A_663 : memref<1x128x32xf32, #tpu.memory_space<vmem>> -> memref<128x32xf32, #tpu.memory_space<vmem>>
      %dma_start3A_665 = arith.constant 0 : i32
      %dma_start3A_666 = tpu.memref_slice %arg5[%add3A_659, %dma_start3A_665] : memref<200x128xi32, #tpu.memory_space<vmem>> -> memref<1x128xi32, #tpu.memory_space<vmem>>
      %dma_start3A_667 = tpu.memref_squeeze %dma_start3A_666 : memref<1x128xi32, #tpu.memory_space<vmem>> -> memref<128xi32, #tpu.memory_space<vmem>>
      %dma_start3A_668 = arith.constant 0 : i32
      %dma_start3A_669 = arith.constant 0 : i32
      %dma_start3A_670 = tpu.memref_slice %arg3[%dma_start3A_668, %dma_start3A_669] : memref<1000000x32xf32, #tpu.memory_space<hbm>> -> memref<1000000x32xf32, #tpu.memory_space<hbm>>
      tpu.enqueue_indirect_dma source(%dma_start3A_670 : memref<1000000x32xf32, #tpu.memory_space<hbm>>) target(%dma_start3A_664 : memref<128x32xf32, #tpu.memory_space<vmem>>) offsets(%dma_start3A_667 : memref<128xi32, #tpu.memory_space<vmem>>) semaphore(%arg8 : memref<!tpu.dma_semaphore, #tpu.memory_space<semaphore_mem>>)
      %mul3A_671 = arith.constant 5 : i32
      %mul3A_672 = arith.muli %add3A_655, %mul3A_671 : i32
      %add3A_673 = arith.constant 1 : i32
      %add3A_674 = arith.addi %mul3A_672, %add3A_673 : i32
      %dma_start3A_675 = arith.constant 1 : i32
      %dma_start3A_676 = arith.constant 0 : i32
      %dma_start3A_677 = arith.constant 0 : i32
      %dma_start3A_678 = tpu.memref_slice %arg6[%dma_start3A_675, %dma_start3A_676, %dma_start3A_677] : memref<5x128x32xf32, #tpu.memory_space<vmem>> -> memref<1x128x32xf32, #tpu.memory_space<vmem>>
      %dma_start3A_679 = tpu.memref_squeeze %dma_start3A_678 : memref<1x128x32xf32, #tpu.memory_space<vmem>> -> memref<128x32xf32, #tpu.memory_space<vmem>>
      %dma_start3A_680 = arith.constant 0 : i32
      %dma_start3A_681 = tpu.memref_slice %arg5[%add3A_674, %dma_start3A_680] : memref<200x128xi32, #tpu.memory_space<vmem>> -> memref<1x128xi32, #tpu.memory_space<vmem>>
      %dma_start3A_682 = tpu.memref_squeeze %dma_start3A_681 : memref<1x128xi32, #tpu.memory_space<vmem>> -> memref<128xi32, #tpu.memory_space<vmem>>
      %dma_start3A_683 = arith.constant 0 : i32
      %dma_start3A_684 = arith.constant 0 : i32
      %dma_start3A_685 = tpu.memref_slice %arg3[%dma_start3A_683, %dma_start3A_684] : memref<1000000x32xf32, #tpu.memory_space<hbm>> -> memref<1000000x32xf32, #tpu.memory_space<hbm>>
      tpu.enqueue_indirect_dma source(%dma_start3A_685 : memref<1000000x32xf32, #tpu.memory_space<hbm>>) target(%dma_start3A_679 : memref<128x32xf32, #tpu.memory_space<vmem>>) offsets(%dma_start3A_682 : memref<128xi32, #tpu.memory_space<vmem>>) semaphore(%arg8 : memref<!tpu.dma_semaphore, #tpu.memory_space<semaphore_mem>>)
      %mul3A_686 = arith.constant 5 : i32
      %mul3A_687 = arith.muli %add3A_655, %mul3A_686 : i32
      %add3A_688 = arith.constant 2 : i32
      %add3A_689 = arith.addi %mul3A_687, %add3A_688 : i32
      %dma_start3A_690 = arith.constant 2 : i32
      %dma_start3A_691 = arith.constant 0 : i32
      %dma_start3A_692 = arith.constant 0 : i32
      %dma_start3A_693 = tpu.memref_slice %arg6[%dma_start3A_690, %dma_start3A_691, %dma_start3A_692] : memref<5x128x32xf32, #tpu.memory_space<vmem>> -> memref<1x128x32xf32, #tpu.memory_space<vmem>>
      %dma_start3A_694 = tpu.memref_squeeze %dma_start3A_693 : memref<1x128x32xf32, #tpu.memory_space<vmem>> -> memref<128x32xf32, #tpu.memory_space<vmem>>
      %dma_start3A_695 = arith.constant 0 : i32
      %dma_start3A_696 = tpu.memref_slice %arg5[%add3A_689, %dma_start3A_695] : memref<200x128xi32, #tpu.memory_space<vmem>> -> memref<1x128xi32, #tpu.memory_space<vmem>>
      %dma_start3A_697 = tpu.memref_squeeze %dma_start3A_696 : memref<1x128xi32, #tpu.memory_space<vmem>> -> memref<128xi32, #tpu.memory_space<vmem>>
      %dma_start3A_698 = arith.constant 0 : i32
      %dma_start3A_699 = arith.constant 0 : i32
      %dma_start3A_700 = tpu.memref_slice %arg3[%dma_start3A_698, %dma_start3A_699] : memref<1000000x32xf32, #tpu.memory_space<hbm>> -> memref<1000000x32xf32, #tpu.memory_space<hbm>>
      tpu.enqueue_indirect_dma source(%dma_start3A_700 : memref<1000000x32xf32, #tpu.memory_space<hbm>>) target(%dma_start3A_694 : memref<128x32xf32, #tpu.memory_space<vmem>>) offsets(%dma_start3A_697 : memref<128xi32, #tpu.memory_space<vmem>>) semaphore(%arg8 : memref<!tpu.dma_semaphore, #tpu.memory_space<semaphore_mem>>)
      %mul3A_701 = arith.constant 5 : i32
      %mul3A_702 = arith.muli %add3A_655, %mul3A_701 : i32
      %add3A_703 = arith.constant 3 : i32
      %add3A_704 = arith.addi %mul3A_702, %add3A_703 : i32
      %dma_start3A_705 = arith.constant 3 : i32
      %dma_start3A_706 = arith.constant 0 : i32
      %dma_start3A_707 = arith.constant 0 : i32
      %dma_start3A_708 = tpu.memref_slice %arg6[%dma_start3A_705, %dma_start3A_706, %dma_start3A_707] : memref<5x128x32xf32, #tpu.memory_space<vmem>> -> memref<1x128x32xf32, #tpu.memory_space<vmem>>
      %dma_start3A_709 = tpu.memref_squeeze %dma_start3A_708 : memref<1x128x32xf32, #tpu.memory_space<vmem>> -> memref<128x32xf32, #tpu.memory_space<vmem>>
      %dma_start3A_710 = arith.constant 0 : i32
      %dma_start3A_711 = tpu.memref_slice %arg5[%add3A_704, %dma_start3A_710] : memref<200x128xi32, #tpu.memory_space<vmem>> -> memref<1x128xi32, #tpu.memory_space<vmem>>
      %dma_start3A_712 = tpu.memref_squeeze %dma_start3A_711 : memref<1x128xi32, #tpu.memory_space<vmem>> -> memref<128xi32, #tpu.memory_space<vmem>>
      %dma_start3A_713 = arith.constant 0 : i32
      %dma_start3A_714 = arith.constant 0 : i32
      %dma_start3A_715 = tpu.memref_slice %arg3[%dma_start3A_713, %dma_start3A_714] : memref<1000000x32xf32, #tpu.memory_space<hbm>> -> memref<1000000x32xf32, #tpu.memory_space<hbm>>
      tpu.enqueue_indirect_dma source(%dma_start3A_715 : memref<1000000x32xf32, #tpu.memory_space<hbm>>) target(%dma_start3A_709 : memref<128x32xf32, #tpu.memory_space<vmem>>) offsets(%dma_start3A_712 : memref<128xi32, #tpu.memory_space<vmem>>) semaphore(%arg8 : memref<!tpu.dma_semaphore, #tpu.memory_space<semaphore_mem>>)
      %mul3A_716 = arith.constant 5 : i32
      %mul3A_717 = arith.muli %add3A_655, %mul3A_716 : i32
      %add3A_718 = arith.constant 4 : i32
      %add3A_719 = arith.addi %mul3A_717, %add3A_718 : i32
      %dma_start3A_720 = arith.constant 4 : i32
      %dma_start3A_721 = arith.constant 0 : i32
      %dma_start3A_722 = arith.constant 0 : i32
      %dma_start3A_723 = tpu.memref_slice %arg6[%dma_start3A_720, %dma_start3A_721, %dma_start3A_722] : memref<5x128x32xf32, #tpu.memory_space<vmem>> -> memref<1x128x32xf32, #tpu.memory_space<vmem>>
      %dma_start3A_724 = tpu.memref_squeeze %dma_start3A_723 : memref<1x128x32xf32, #tpu.memory_space<vmem>> -> memref<128x32xf32, #tpu.memory_space<vmem>>
      %dma_start3A_725 = arith.constant 0 : i32
      %dma_start3A_726 = tpu.memref_slice %arg5[%add3A_719, %dma_start3A_725] : memref<200x128xi32, #tpu.memory_space<vmem>> -> memref<1x128xi32, #tpu.memory_space<vmem>>
      %dma_start3A_727 = tpu.memref_squeeze %dma_start3A_726 : memref<1x128xi32, #tpu.memory_space<vmem>> -> memref<128xi32, #tpu.memory_space<vmem>>
      %dma_start3A_728 = arith.constant 0 : i32
      %dma_start3A_729 = arith.constant 0 : i32
      %dma_start3A_730 = tpu.memref_slice %arg3[%dma_start3A_728, %dma_start3A_729] : memref<1000000x32xf32, #tpu.memory_space<hbm>> -> memref<1000000x32xf32, #tpu.memory_space<hbm>>
      tpu.enqueue_indirect_dma source(%dma_start3A_730 : memref<1000000x32xf32, #tpu.memory_space<hbm>>) target(%dma_start3A_724 : memref<128x32xf32, #tpu.memory_space<vmem>>) offsets(%dma_start3A_727 : memref<128xi32, #tpu.memory_space<vmem>>) semaphore(%arg8 : memref<!tpu.dma_semaphore, #tpu.memory_space<semaphore_mem>>)
      %mul3A_731 = arith.constant 5 : i32
      %mul3A_732 = arith.muli %add3A_552, %mul3A_731 : i32
      %add3A_733 = arith.constant 0 : i32
      %add3A_734 = arith.addi %mul3A_732, %add3A_733 : i32
      %dma_wait3A_735 = arith.constant 0 : i32
      %dma_wait3A_736 = arith.constant 0 : i32
      %dma_wait3A_737 = arith.constant 0 : i32
      %dma_wait3A_738 = tpu.memref_slice %arg7[%dma_wait3A_735, %dma_wait3A_736, %dma_wait3A_737] : memref<5x128x32xf32, #tpu.memory_space<vmem>> -> memref<1x128x32xf32, #tpu.memory_space<vmem>>
      %dma_wait3A_739 = tpu.memref_squeeze %dma_wait3A_738 : memref<1x128x32xf32, #tpu.memory_space<vmem>> -> memref<128x32xf32, #tpu.memory_space<vmem>>
      %dma_wait3A_740 = arith.constant 0 : i32
      %dma_wait3A_741 = tpu.memref_slice %arg5[%add3A_734, %dma_wait3A_740] : memref<200x128xi32, #tpu.memory_space<vmem>> -> memref<1x128xi32, #tpu.memory_space<vmem>>
      %dma_wait3A_742 = tpu.memref_squeeze %dma_wait3A_741 : memref<1x128xi32, #tpu.memory_space<vmem>> -> memref<128xi32, #tpu.memory_space<vmem>>
      %dma_wait3A_743 = arith.constant 0 : i32
      %dma_wait3A_744 = arith.constant 0 : i32
      %dma_wait3A_745 = tpu.memref_slice %arg3[%dma_wait3A_743, %dma_wait3A_744] : memref<1000000x32xf32, #tpu.memory_space<hbm>> -> memref<1000000x32xf32, #tpu.memory_space<hbm>>
      tpu.wait_indirect_dma semaphore(%arg9 : memref<!tpu.dma_semaphore, #tpu.memory_space<semaphore_mem>>) src(%dma_wait3A_745 : memref<1000000x32xf32, #tpu.memory_space<hbm>>) dst(%dma_wait3A_739 : memref<128x32xf32, #tpu.memory_space<vmem>>)
      %mul3A_746 = arith.constant 5 : i32
      %mul3A_747 = arith.muli %add3A_552, %mul3A_746 : i32
      %add3A_748 = arith.constant 1 : i32
      %add3A_749 = arith.addi %mul3A_747, %add3A_748 : i32
      %dma_wait3A_750 = arith.constant 1 : i32
      %dma_wait3A_751 = arith.constant 0 : i32
      %dma_wait3A_752 = arith.constant 0 : i32
      %dma_wait3A_753 = tpu.memref_slice %arg7[%dma_wait3A_750, %dma_wait3A_751, %dma_wait3A_752] : memref<5x128x32xf32, #tpu.memory_space<vmem>> -> memref<1x128x32xf32, #tpu.memory_space<vmem>>
      %dma_wait3A_754 = tpu.memref_squeeze %dma_wait3A_753 : memref<1x128x32xf32, #tpu.memory_space<vmem>> -> memref<128x32xf32, #tpu.memory_space<vmem>>
      %dma_wait3A_755 = arith.constant 0 : i32
      %dma_wait3A_756 = tpu.memref_slice %arg5[%add3A_749, %dma_wait3A_755] : memref<200x128xi32, #tpu.memory_space<vmem>> -> memref<1x128xi32, #tpu.memory_space<vmem>>
      %dma_wait3A_757 = tpu.memref_squeeze %dma_wait3A_756 : memref<1x128xi32, #tpu.memory_space<vmem>> -> memref<128xi32, #tpu.memory_space<vmem>>
      %dma_wait3A_758 = arith.constant 0 : i32
      %dma_wait3A_759 = arith.constant 0 : i32
      %dma_wait3A_760 = tpu.memref_slice %arg3[%dma_wait3A_758, %dma_wait3A_759] : memref<1000000x32xf32, #tpu.memory_space<hbm>> -> memref<1000000x32xf32, #tpu.memory_space<hbm>>
      tpu.wait_indirect_dma semaphore(%arg9 : memref<!tpu.dma_semaphore, #tpu.memory_space<semaphore_mem>>) src(%dma_wait3A_760 : memref<1000000x32xf32, #tpu.memory_space<hbm>>) dst(%dma_wait3A_754 : memref<128x32xf32, #tpu.memory_space<vmem>>)
      %mul3A_761 = arith.constant 5 : i32
      %mul3A_762 = arith.muli %add3A_552, %mul3A_761 : i32
      %add3A_763 = arith.constant 2 : i32
      %add3A_764 = arith.addi %mul3A_762, %add3A_763 : i32
      %dma_wait3A_765 = arith.constant 2 : i32
      %dma_wait3A_766 = arith.constant 0 : i32
      %dma_wait3A_767 = arith.constant 0 : i32
      %dma_wait3A_768 = tpu.memref_slice %arg7[%dma_wait3A_765, %dma_wait3A_766, %dma_wait3A_767] : memref<5x128x32xf32, #tpu.memory_space<vmem>> -> memref<1x128x32xf32, #tpu.memory_space<vmem>>
      %dma_wait3A_769 = tpu.memref_squeeze %dma_wait3A_768 : memref<1x128x32xf32, #tpu.memory_space<vmem>> -> memref<128x32xf32, #tpu.memory_space<vmem>>
      %dma_wait3A_770 = arith.constant 0 : i32
      %dma_wait3A_771 = tpu.memref_slice %arg5[%add3A_764, %dma_wait3A_770] : memref<200x128xi32, #tpu.memory_space<vmem>> -> memref<1x128xi32, #tpu.memory_space<vmem>>
      %dma_wait3A_772 = tpu.memref_squeeze %dma_wait3A_771 : memref<1x128xi32, #tpu.memory_space<vmem>> -> memref<128xi32, #tpu.memory_space<vmem>>
      %dma_wait3A_773 = arith.constant 0 : i32
      %dma_wait3A_774 = arith.constant 0 : i32
      %dma_wait3A_775 = tpu.memref_slice %arg3[%dma_wait3A_773, %dma_wait3A_774] : memref<1000000x32xf32, #tpu.memory_space<hbm>> -> memref<1000000x32xf32, #tpu.memory_space<hbm>>
      tpu.wait_indirect_dma semaphore(%arg9 : memref<!tpu.dma_semaphore, #tpu.memory_space<semaphore_mem>>) src(%dma_wait3A_775 : memref<1000000x32xf32, #tpu.memory_space<hbm>>) dst(%dma_wait3A_769 : memref<128x32xf32, #tpu.memory_space<vmem>>)
      %mul3A_776 = arith.constant 5 : i32
      %mul3A_777 = arith.muli %add3A_552, %mul3A_776 : i32
      %add3A_778 = arith.constant 3 : i32
      %add3A_779 = arith.addi %mul3A_777, %add3A_778 : i32
      %dma_wait3A_780 = arith.constant 3 : i32
      %dma_wait3A_781 = arith.constant 0 : i32
      %dma_wait3A_782 = arith.constant 0 : i32
      %dma_wait3A_783 = tpu.memref_slice %arg7[%dma_wait3A_780, %dma_wait3A_781, %dma_wait3A_782] : memref<5x128x32xf32, #tpu.memory_space<vmem>> -> memref<1x128x32xf32, #tpu.memory_space<vmem>>
      %dma_wait3A_784 = tpu.memref_squeeze %dma_wait3A_783 : memref<1x128x32xf32, #tpu.memory_space<vmem>> -> memref<128x32xf32, #tpu.memory_space<vmem>>
      %dma_wait3A_785 = arith.constant 0 : i32
      %dma_wait3A_786 = tpu.memref_slice %arg5[%add3A_779, %dma_wait3A_785] : memref<200x128xi32, #tpu.memory_space<vmem>> -> memref<1x128xi32, #tpu.memory_space<vmem>>
      %dma_wait3A_787 = tpu.memref_squeeze %dma_wait3A_786 : memref<1x128xi32, #tpu.memory_space<vmem>> -> memref<128xi32, #tpu.memory_space<vmem>>
      %dma_wait3A_788 = arith.constant 0 : i32
      %dma_wait3A_789 = arith.constant 0 : i32
      %dma_wait3A_790 = tpu.memref_slice %arg3[%dma_wait3A_788, %dma_wait3A_789] : memref<1000000x32xf32, #tpu.memory_space<hbm>> -> memref<1000000x32xf32, #tpu.memory_space<hbm>>
      tpu.wait_indirect_dma semaphore(%arg9 : memref<!tpu.dma_semaphore, #tpu.memory_space<semaphore_mem>>) src(%dma_wait3A_790 : memref<1000000x32xf32, #tpu.memory_space<hbm>>) dst(%dma_wait3A_784 : memref<128x32xf32, #tpu.memory_space<vmem>>)
      %mul3A_791 = arith.constant 5 : i32
      %mul3A_792 = arith.muli %add3A_552, %mul3A_791 : i32
      %add3A_793 = arith.constant 4 : i32
      %add3A_794 = arith.addi %mul3A_792, %add3A_793 : i32
      %dma_wait3A_795 = arith.constant 4 : i32
      %dma_wait3A_796 = arith.constant 0 : i32
      %dma_wait3A_797 = arith.constant 0 : i32
      %dma_wait3A_798 = tpu.memref_slice %arg7[%dma_wait3A_795, %dma_wait3A_796, %dma_wait3A_797] : memref<5x128x32xf32, #tpu.memory_space<vmem>> -> memref<1x128x32xf32, #tpu.memory_space<vmem>>
      %dma_wait3A_799 = tpu.memref_squeeze %dma_wait3A_798 : memref<1x128x32xf32, #tpu.memory_space<vmem>> -> memref<128x32xf32, #tpu.memory_space<vmem>>
      %dma_wait3A_800 = arith.constant 0 : i32
      %dma_wait3A_801 = tpu.memref_slice %arg5[%add3A_794, %dma_wait3A_800] : memref<200x128xi32, #tpu.memory_space<vmem>> -> memref<1x128xi32, #tpu.memory_space<vmem>>
      %dma_wait3A_802 = tpu.memref_squeeze %dma_wait3A_801 : memref<1x128xi32, #tpu.memory_space<vmem>> -> memref<128xi32, #tpu.memory_space<vmem>>
      %dma_wait3A_803 = arith.constant 0 : i32
      %dma_wait3A_804 = arith.constant 0 : i32
      %dma_wait3A_805 = tpu.memref_slice %arg3[%dma_wait3A_803, %dma_wait3A_804] : memref<1000000x32xf32, #tpu.memory_space<hbm>> -> memref<1000000x32xf32, #tpu.memory_space<hbm>>
      tpu.wait_indirect_dma semaphore(%arg9 : memref<!tpu.dma_semaphore, #tpu.memory_space<semaphore_mem>>) src(%dma_wait3A_805 : memref<1000000x32xf32, #tpu.memory_space<hbm>>) dst(%dma_wait3A_799 : memref<128x32xf32, #tpu.memory_space<vmem>>)
      %mul3A_806 = arith.constant 5 : i32
      %mul3A_807 = arith.muli %add3A_552, %mul3A_806 : i32
      %add3A_808 = arith.constant 0 : i32
      %add3A_809 = arith.addi %mul3A_807, %add3A_808 : i32
      %mul3A_810 = arith.constant 128 : i32
      %mul3A_811 = arith.muli %add3A_809, %mul3A_810 : i32
      %add3A_812 = arith.addi %mul3A_2, %mul3A_811 : i32
      %dma_start3A_813 = arith.constant 0 : i32
      %dma_start3A_814 = arith.constant 0 : i32
      %dma_start3A_815 = arith.constant 0 : i32
      %dma_start3A_816 = tpu.memref_slice %arg7[%dma_start3A_813, %dma_start3A_814, %dma_start3A_815] : memref<5x128x32xf32, #tpu.memory_space<vmem>> -> memref<1x128x32xf32, #tpu.memory_space<vmem>>
      %dma_start3A_817 = tpu.memref_squeeze %dma_start3A_816 : memref<1x128x32xf32, #tpu.memory_space<vmem>> -> memref<128x32xf32, #tpu.memory_space<vmem>>
      %dma_start3A_818 = arith.constant 0 : i32
      %dma_start3A_819 = tpu.memref_slice %arg4[%add3A_812, %dma_start3A_818] : memref<819200x32xf32, #tpu.memory_space<hbm>> -> memref<128x32xf32, #tpu.memory_space<hbm>>
      %dma_start3A_820 = arith.constant 0 : i32
      %dma_start3A_821 = tpu.memref_slice %arg4[%add3A_812, %dma_start3A_820] : memref<819200x32xf32, #tpu.memory_space<hbm>> -> memref<128x32xf32, #tpu.memory_space<hbm>>
      %dma_start3A_822 = arith.constant 0 : i32
      %dma_start3A_823 = arith.constant 0 : i32
      %dma_start3A_824 = tpu.memref_slice %arg7[%dma_start3A_813, %dma_start3A_822, %dma_start3A_823] : memref<5x128x32xf32, #tpu.memory_space<vmem>> -> memref<1x128x32xf32, #tpu.memory_space<vmem>>
      %dma_start3A_825 = tpu.memref_squeeze %dma_start3A_824 : memref<1x128x32xf32, #tpu.memory_space<vmem>> -> memref<128x32xf32, #tpu.memory_space<vmem>>
      tpu.enqueue_dma source(%dma_start3A_825 : memref<128x32xf32, #tpu.memory_space<vmem>>) target(%dma_start3A_821 : memref<128x32xf32, #tpu.memory_space<hbm>>) target_semaphore(%arg11 : memref<!tpu.dma_semaphore, #tpu.memory_space<semaphore_mem>>)
      %mul3A_826 = arith.constant 5 : i32
      %mul3A_827 = arith.muli %add3A_552, %mul3A_826 : i32
      %add3A_828 = arith.constant 1 : i32
      %add3A_829 = arith.addi %mul3A_827, %add3A_828 : i32
      %mul3A_830 = arith.constant 128 : i32
      %mul3A_831 = arith.muli %add3A_829, %mul3A_830 : i32
      %add3A_832 = arith.addi %mul3A_2, %mul3A_831 : i32
      %dma_start3A_833 = arith.constant 1 : i32
      %dma_start3A_834 = arith.constant 0 : i32
      %dma_start3A_835 = arith.constant 0 : i32
      %dma_start3A_836 = tpu.memref_slice %arg7[%dma_start3A_833, %dma_start3A_834, %dma_start3A_835] : memref<5x128x32xf32, #tpu.memory_space<vmem>> -> memref<1x128x32xf32, #tpu.memory_space<vmem>>
      %dma_start3A_837 = tpu.memref_squeeze %dma_start3A_836 : memref<1x128x32xf32, #tpu.memory_space<vmem>> -> memref<128x32xf32, #tpu.memory_space<vmem>>
      %dma_start3A_838 = arith.constant 0 : i32
      %dma_start3A_839 = tpu.memref_slice %arg4[%add3A_832, %dma_start3A_838] : memref<819200x32xf32, #tpu.memory_space<hbm>> -> memref<128x32xf32, #tpu.memory_space<hbm>>
      %dma_start3A_840 = arith.constant 0 : i32
      %dma_start3A_841 = tpu.memref_slice %arg4[%add3A_832, %dma_start3A_840] : memref<819200x32xf32, #tpu.memory_space<hbm>> -> memref<128x32xf32, #tpu.memory_space<hbm>>
      %dma_start3A_842 = arith.constant 0 : i32
      %dma_start3A_843 = arith.constant 0 : i32
      %dma_start3A_844 = tpu.memref_slice %arg7[%dma_start3A_833, %dma_start3A_842, %dma_start3A_843] : memref<5x128x32xf32, #tpu.memory_space<vmem>> -> memref<1x128x32xf32, #tpu.memory_space<vmem>>
      %dma_start3A_845 = tpu.memref_squeeze %dma_start3A_844 : memref<1x128x32xf32, #tpu.memory_space<vmem>> -> memref<128x32xf32, #tpu.memory_space<vmem>>
      tpu.enqueue_dma source(%dma_start3A_845 : memref<128x32xf32, #tpu.memory_space<vmem>>) target(%dma_start3A_841 : memref<128x32xf32, #tpu.memory_space<hbm>>) target_semaphore(%arg11 : memref<!tpu.dma_semaphore, #tpu.memory_space<semaphore_mem>>)
      %mul3A_846 = arith.constant 5 : i32
      %mul3A_847 = arith.muli %add3A_552, %mul3A_846 : i32
      %add3A_848 = arith.constant 2 : i32
      %add3A_849 = arith.addi %mul3A_847, %add3A_848 : i32
      %mul3A_850 = arith.constant 128 : i32
      %mul3A_851 = arith.muli %add3A_849, %mul3A_850 : i32
      %add3A_852 = arith.addi %mul3A_2, %mul3A_851 : i32
      %dma_start3A_853 = arith.constant 2 : i32
      %dma_start3A_854 = arith.constant 0 : i32
      %dma_start3A_855 = arith.constant 0 : i32
      %dma_start3A_856 = tpu.memref_slice %arg7[%dma_start3A_853, %dma_start3A_854, %dma_start3A_855] : memref<5x128x32xf32, #tpu.memory_space<vmem>> -> memref<1x128x32xf32, #tpu.memory_space<vmem>>
      %dma_start3A_857 = tpu.memref_squeeze %dma_start3A_856 : memref<1x128x32xf32, #tpu.memory_space<vmem>> -> memref<128x32xf32, #tpu.memory_space<vmem>>
      %dma_start3A_858 = arith.constant 0 : i32
      %dma_start3A_859 = tpu.memref_slice %arg4[%add3A_852, %dma_start3A_858] : memref<819200x32xf32, #tpu.memory_space<hbm>> -> memref<128x32xf32, #tpu.memory_space<hbm>>
      %dma_start3A_860 = arith.constant 0 : i32
      %dma_start3A_861 = tpu.memref_slice %arg4[%add3A_852, %dma_start3A_860] : memref<819200x32xf32, #tpu.memory_space<hbm>> -> memref<128x32xf32, #tpu.memory_space<hbm>>
      %dma_start3A_862 = arith.constant 0 : i32
      %dma_start3A_863 = arith.constant 0 : i32
      %dma_start3A_864 = tpu.memref_slice %arg7[%dma_start3A_853, %dma_start3A_862, %dma_start3A_863] : memref<5x128x32xf32, #tpu.memory_space<vmem>> -> memref<1x128x32xf32, #tpu.memory_space<vmem>>
      %dma_start3A_865 = tpu.memref_squeeze %dma_start3A_864 : memref<1x128x32xf32, #tpu.memory_space<vmem>> -> memref<128x32xf32, #tpu.memory_space<vmem>>
      tpu.enqueue_dma source(%dma_start3A_865 : memref<128x32xf32, #tpu.memory_space<vmem>>) target(%dma_start3A_861 : memref<128x32xf32, #tpu.memory_space<hbm>>) target_semaphore(%arg11 : memref<!tpu.dma_semaphore, #tpu.memory_space<semaphore_mem>>)
      %mul3A_866 = arith.constant 5 : i32
      %mul3A_867 = arith.muli %add3A_552, %mul3A_866 : i32
      %add3A_868 = arith.constant 3 : i32
      %add3A_869 = arith.addi %mul3A_867, %add3A_868 : i32
      %mul3A_870 = arith.constant 128 : i32
      %mul3A_871 = arith.muli %add3A_869, %mul3A_870 : i32
      %add3A_872 = arith.addi %mul3A_2, %mul3A_871 : i32
      %dma_start3A_873 = arith.constant 3 : i32
      %dma_start3A_874 = arith.constant 0 : i32
      %dma_start3A_875 = arith.constant 0 : i32
      %dma_start3A_876 = tpu.memref_slice %arg7[%dma_start3A_873, %dma_start3A_874, %dma_start3A_875] : memref<5x128x32xf32, #tpu.memory_space<vmem>> -> memref<1x128x32xf32, #tpu.memory_space<vmem>>
      %dma_start3A_877 = tpu.memref_squeeze %dma_start3A_876 : memref<1x128x32xf32, #tpu.memory_space<vmem>> -> memref<128x32xf32, #tpu.memory_space<vmem>>
      %dma_start3A_878 = arith.constant 0 : i32
      %dma_start3A_879 = tpu.memref_slice %arg4[%add3A_872, %dma_start3A_878] : memref<819200x32xf32, #tpu.memory_space<hbm>> -> memref<128x32xf32, #tpu.memory_space<hbm>>
      %dma_start3A_880 = arith.constant 0 : i32
      %dma_start3A_881 = tpu.memref_slice %arg4[%add3A_872, %dma_start3A_880] : memref<819200x32xf32, #tpu.memory_space<hbm>> -> memref<128x32xf32, #tpu.memory_space<hbm>>
      %dma_start3A_882 = arith.constant 0 : i32
      %dma_start3A_883 = arith.constant 0 : i32
      %dma_start3A_884 = tpu.memref_slice %arg7[%dma_start3A_873, %dma_start3A_882, %dma_start3A_883] : memref<5x128x32xf32, #tpu.memory_space<vmem>> -> memref<1x128x32xf32, #tpu.memory_space<vmem>>
      %dma_start3A_885 = tpu.memref_squeeze %dma_start3A_884 : memref<1x128x32xf32, #tpu.memory_space<vmem>> -> memref<128x32xf32, #tpu.memory_space<vmem>>
      tpu.enqueue_dma source(%dma_start3A_885 : memref<128x32xf32, #tpu.memory_space<vmem>>) target(%dma_start3A_881 : memref<128x32xf32, #tpu.memory_space<hbm>>) target_semaphore(%arg11 : memref<!tpu.dma_semaphore, #tpu.memory_space<semaphore_mem>>)
      %mul3A_886 = arith.constant 5 : i32
      %mul3A_887 = arith.muli %add3A_552, %mul3A_886 : i32
      %add3A_888 = arith.constant 4 : i32
      %add3A_889 = arith.addi %mul3A_887, %add3A_888 : i32
      %mul3A_890 = arith.constant 128 : i32
      %mul3A_891 = arith.muli %add3A_889, %mul3A_890 : i32
      %add3A_892 = arith.addi %mul3A_2, %mul3A_891 : i32
      %dma_start3A_893 = arith.constant 4 : i32
      %dma_start3A_894 = arith.constant 0 : i32
      %dma_start3A_895 = arith.constant 0 : i32
      %dma_start3A_896 = tpu.memref_slice %arg7[%dma_start3A_893, %dma_start3A_894, %dma_start3A_895] : memref<5x128x32xf32, #tpu.memory_space<vmem>> -> memref<1x128x32xf32, #tpu.memory_space<vmem>>
      %dma_start3A_897 = tpu.memref_squeeze %dma_start3A_896 : memref<1x128x32xf32, #tpu.memory_space<vmem>> -> memref<128x32xf32, #tpu.memory_space<vmem>>
      %dma_start3A_898 = arith.constant 0 : i32
      %dma_start3A_899 = tpu.memref_slice %arg4[%add3A_892, %dma_start3A_898] : memref<819200x32xf32, #tpu.memory_space<hbm>> -> memref<128x32xf32, #tpu.memory_space<hbm>>
      %dma_start3A_900 = arith.constant 0 : i32
      %dma_start3A_901 = tpu.memref_slice %arg4[%add3A_892, %dma_start3A_900] : memref<819200x32xf32, #tpu.memory_space<hbm>> -> memref<128x32xf32, #tpu.memory_space<hbm>>
      %dma_start3A_902 = arith.constant 0 : i32
      %dma_start3A_903 = arith.constant 0 : i32
      %dma_start3A_904 = tpu.memref_slice %arg7[%dma_start3A_893, %dma_start3A_902, %dma_start3A_903] : memref<5x128x32xf32, #tpu.memory_space<vmem>> -> memref<1x128x32xf32, #tpu.memory_space<vmem>>
      %dma_start3A_905 = tpu.memref_squeeze %dma_start3A_904 : memref<1x128x32xf32, #tpu.memory_space<vmem>> -> memref<128x32xf32, #tpu.memory_space<vmem>>
      tpu.enqueue_dma source(%dma_start3A_905 : memref<128x32xf32, #tpu.memory_space<vmem>>) target(%dma_start3A_901 : memref<128x32xf32, #tpu.memory_space<hbm>>) target_semaphore(%arg11 : memref<!tpu.dma_semaphore, #tpu.memory_space<semaphore_mem>>)
      %mul3A_906 = arith.constant 2 : i32
      %mul3A_907 = arith.muli %mul3A_906, %scan3A_547 : i32
      %add3A_908 = arith.constant 2 : i32
      %add3A_909 = arith.addi %mul3A_907, %add3A_908 : i32
      %sub3A_910 = arith.constant 1 : i32
      %sub3A_911 = arith.subi %add3A_909, %sub3A_910 : i32
      %mul3A_912 = arith.constant 5 : i32
      %mul3A_913 = arith.muli %sub3A_911, %mul3A_912 : i32
      %add3A_914 = arith.constant 0 : i32
      %add3A_915 = arith.addi %mul3A_913, %add3A_914 : i32
      %mul3A_916 = arith.constant 128 : i32
      %mul3A_917 = arith.muli %add3A_915, %mul3A_916 : i32
      %add3A_918 = arith.addi %mul3A_2, %mul3A_917 : i32
      %dma_wait3A_919 = arith.constant 0 : i32
      %dma_wait3A_920 = arith.constant 0 : i32
      %dma_wait3A_921 = arith.constant 0 : i32
      %dma_wait3A_922 = tpu.memref_slice %arg7[%dma_wait3A_919, %dma_wait3A_920, %dma_wait3A_921] : memref<5x128x32xf32, #tpu.memory_space<vmem>> -> memref<1x128x32xf32, #tpu.memory_space<vmem>>
      %dma_wait3A_923 = tpu.memref_squeeze %dma_wait3A_922 : memref<1x128x32xf32, #tpu.memory_space<vmem>> -> memref<128x32xf32, #tpu.memory_space<vmem>>
      %dma_wait3A_924 = arith.constant 0 : i32
      %dma_wait3A_925 = tpu.memref_slice %arg4[%add3A_918, %dma_wait3A_924] : memref<819200x32xf32, #tpu.memory_space<hbm>> -> memref<128x32xf32, #tpu.memory_space<hbm>>
      %dma_wait3A_926 = arith.constant 0 : i32
      %dma_wait3A_927 = tpu.memref_slice %arg4[%add3A_918, %dma_wait3A_926] : memref<819200x32xf32, #tpu.memory_space<hbm>> -> memref<128x32xf32, #tpu.memory_space<hbm>>
      %dma_wait3A_928 = arith.constant 0 : i32
      %dma_wait3A_929 = arith.constant 0 : i32
      %dma_wait3A_930 = tpu.memref_slice %arg7[%dma_wait3A_919, %dma_wait3A_928, %dma_wait3A_929] : memref<5x128x32xf32, #tpu.memory_space<vmem>> -> memref<1x128x32xf32, #tpu.memory_space<vmem>>
      %dma_wait3A_931 = tpu.memref_squeeze %dma_wait3A_930 : memref<1x128x32xf32, #tpu.memory_space<vmem>> -> memref<128x32xf32, #tpu.memory_space<vmem>>
      tpu.wait_dma2 semaphore(%arg11 : memref<!tpu.dma_semaphore, #tpu.memory_space<semaphore_mem>>) src(%dma_wait3A_931 : memref<128x32xf32, #tpu.memory_space<vmem>>) dst(%dma_wait3A_927 : memref<128x32xf32, #tpu.memory_space<hbm>>)
      %mul3A_932 = arith.constant 5 : i32
      %mul3A_933 = arith.muli %sub3A_911, %mul3A_932 : i32
      %add3A_934 = arith.constant 1 : i32
      %add3A_935 = arith.addi %mul3A_933, %add3A_934 : i32
      %mul3A_936 = arith.constant 128 : i32
      %mul3A_937 = arith.muli %add3A_935, %mul3A_936 : i32
      %add3A_938 = arith.addi %mul3A_2, %mul3A_937 : i32
      %dma_wait3A_939 = arith.constant 1 : i32
      %dma_wait3A_940 = arith.constant 0 : i32
      %dma_wait3A_941 = arith.constant 0 : i32
      %dma_wait3A_942 = tpu.memref_slice %arg7[%dma_wait3A_939, %dma_wait3A_940, %dma_wait3A_941] : memref<5x128x32xf32, #tpu.memory_space<vmem>> -> memref<1x128x32xf32, #tpu.memory_space<vmem>>
      %dma_wait3A_943 = tpu.memref_squeeze %dma_wait3A_942 : memref<1x128x32xf32, #tpu.memory_space<vmem>> -> memref<128x32xf32, #tpu.memory_space<vmem>>
      %dma_wait3A_944 = arith.constant 0 : i32
      %dma_wait3A_945 = tpu.memref_slice %arg4[%add3A_938, %dma_wait3A_944] : memref<819200x32xf32, #tpu.memory_space<hbm>> -> memref<128x32xf32, #tpu.memory_space<hbm>>
      %dma_wait3A_946 = arith.constant 0 : i32
      %dma_wait3A_947 = tpu.memref_slice %arg4[%add3A_938, %dma_wait3A_946] : memref<819200x32xf32, #tpu.memory_space<hbm>> -> memref<128x32xf32, #tpu.memory_space<hbm>>
      %dma_wait3A_948 = arith.constant 0 : i32
      %dma_wait3A_949 = arith.constant 0 : i32
      %dma_wait3A_950 = tpu.memref_slice %arg7[%dma_wait3A_939, %dma_wait3A_948, %dma_wait3A_949] : memref<5x128x32xf32, #tpu.memory_space<vmem>> -> memref<1x128x32xf32, #tpu.memory_space<vmem>>
      %dma_wait3A_951 = tpu.memref_squeeze %dma_wait3A_950 : memref<1x128x32xf32, #tpu.memory_space<vmem>> -> memref<128x32xf32, #tpu.memory_space<vmem>>
      tpu.wait_dma2 semaphore(%arg11 : memref<!tpu.dma_semaphore, #tpu.memory_space<semaphore_mem>>) src(%dma_wait3A_951 : memref<128x32xf32, #tpu.memory_space<vmem>>) dst(%dma_wait3A_947 : memref<128x32xf32, #tpu.memory_space<hbm>>)
      %mul3A_952 = arith.constant 5 : i32
      %mul3A_953 = arith.muli %sub3A_911, %mul3A_952 : i32
      %add3A_954 = arith.constant 2 : i32
      %add3A_955 = arith.addi %mul3A_953, %add3A_954 : i32
      %mul3A_956 = arith.constant 128 : i32
      %mul3A_957 = arith.muli %add3A_955, %mul3A_956 : i32
      %add3A_958 = arith.addi %mul3A_2, %mul3A_957 : i32
      %dma_wait3A_959 = arith.constant 2 : i32
      %dma_wait3A_960 = arith.constant 0 : i32
      %dma_wait3A_961 = arith.constant 0 : i32
      %dma_wait3A_962 = tpu.memref_slice %arg7[%dma_wait3A_959, %dma_wait3A_960, %dma_wait3A_961] : memref<5x128x32xf32, #tpu.memory_space<vmem>> -> memref<1x128x32xf32, #tpu.memory_space<vmem>>
      %dma_wait3A_963 = tpu.memref_squeeze %dma_wait3A_962 : memref<1x128x32xf32, #tpu.memory_space<vmem>> -> memref<128x32xf32, #tpu.memory_space<vmem>>
      %dma_wait3A_964 = arith.constant 0 : i32
      %dma_wait3A_965 = tpu.memref_slice %arg4[%add3A_958, %dma_wait3A_964] : memref<819200x32xf32, #tpu.memory_space<hbm>> -> memref<128x32xf32, #tpu.memory_space<hbm>>
      %dma_wait3A_966 = arith.constant 0 : i32
      %dma_wait3A_967 = tpu.memref_slice %arg4[%add3A_958, %dma_wait3A_966] : memref<819200x32xf32, #tpu.memory_space<hbm>> -> memref<128x32xf32, #tpu.memory_space<hbm>>
      %dma_wait3A_968 = arith.constant 0 : i32
      %dma_wait3A_969 = arith.constant 0 : i32
      %dma_wait3A_970 = tpu.memref_slice %arg7[%dma_wait3A_959, %dma_wait3A_968, %dma_wait3A_969] : memref<5x128x32xf32, #tpu.memory_space<vmem>> -> memref<1x128x32xf32, #tpu.memory_space<vmem>>
      %dma_wait3A_971 = tpu.memref_squeeze %dma_wait3A_970 : memref<1x128x32xf32, #tpu.memory_space<vmem>> -> memref<128x32xf32, #tpu.memory_space<vmem>>
      tpu.wait_dma2 semaphore(%arg11 : memref<!tpu.dma_semaphore, #tpu.memory_space<semaphore_mem>>) src(%dma_wait3A_971 : memref<128x32xf32, #tpu.memory_space<vmem>>) dst(%dma_wait3A_967 : memref<128x32xf32, #tpu.memory_space<hbm>>)
      %mul3A_972 = arith.constant 5 : i32
      %mul3A_973 = arith.muli %sub3A_911, %mul3A_972 : i32
      %add3A_974 = arith.constant 3 : i32
      %add3A_975 = arith.addi %mul3A_973, %add3A_974 : i32
      %mul3A_976 = arith.constant 128 : i32
      %mul3A_977 = arith.muli %add3A_975, %mul3A_976 : i32
      %add3A_978 = arith.addi %mul3A_2, %mul3A_977 : i32
      %dma_wait3A_979 = arith.constant 3 : i32
      %dma_wait3A_980 = arith.constant 0 : i32
      %dma_wait3A_981 = arith.constant 0 : i32
      %dma_wait3A_982 = tpu.memref_slice %arg7[%dma_wait3A_979, %dma_wait3A_980, %dma_wait3A_981] : memref<5x128x32xf32, #tpu.memory_space<vmem>> -> memref<1x128x32xf32, #tpu.memory_space<vmem>>
      %dma_wait3A_983 = tpu.memref_squeeze %dma_wait3A_982 : memref<1x128x32xf32, #tpu.memory_space<vmem>> -> memref<128x32xf32, #tpu.memory_space<vmem>>
      %dma_wait3A_984 = arith.constant 0 : i32
      %dma_wait3A_985 = tpu.memref_slice %arg4[%add3A_978, %dma_wait3A_984] : memref<819200x32xf32, #tpu.memory_space<hbm>> -> memref<128x32xf32, #tpu.memory_space<hbm>>
      %dma_wait3A_986 = arith.constant 0 : i32
      %dma_wait3A_987 = tpu.memref_slice %arg4[%add3A_978, %dma_wait3A_986] : memref<819200x32xf32, #tpu.memory_space<hbm>> -> memref<128x32xf32, #tpu.memory_space<hbm>>
      %dma_wait3A_988 = arith.constant 0 : i32
      %dma_wait3A_989 = arith.constant 0 : i32
      %dma_wait3A_990 = tpu.memref_slice %arg7[%dma_wait3A_979, %dma_wait3A_988, %dma_wait3A_989] : memref<5x128x32xf32, #tpu.memory_space<vmem>> -> memref<1x128x32xf32, #tpu.memory_space<vmem>>
      %dma_wait3A_991 = tpu.memref_squeeze %dma_wait3A_990 : memref<1x128x32xf32, #tpu.memory_space<vmem>> -> memref<128x32xf32, #tpu.memory_space<vmem>>
      tpu.wait_dma2 semaphore(%arg11 : memref<!tpu.dma_semaphore, #tpu.memory_space<semaphore_mem>>) src(%dma_wait3A_991 : memref<128x32xf32, #tpu.memory_space<vmem>>) dst(%dma_wait3A_987 : memref<128x32xf32, #tpu.memory_space<hbm>>)
      %mul3A_992 = arith.constant 5 : i32
      %mul3A_993 = arith.muli %sub3A_911, %mul3A_992 : i32
      %add3A_994 = arith.constant 4 : i32
      %add3A_995 = arith.addi %mul3A_993, %add3A_994 : i32
      %mul3A_996 = arith.constant 128 : i32
      %mul3A_997 = arith.muli %add3A_995, %mul3A_996 : i32
      %add3A_998 = arith.addi %mul3A_2, %mul3A_997 : i32
      %dma_wait3A_999 = arith.constant 4 : i32
      %dma_wait3A_1000 = arith.constant 0 : i32
      %dma_wait3A_1001 = arith.constant 0 : i32
      %dma_wait3A_1002 = tpu.memref_slice %arg7[%dma_wait3A_999, %dma_wait3A_1000, %dma_wait3A_1001] : memref<5x128x32xf32, #tpu.memory_space<vmem>> -> memref<1x128x32xf32, #tpu.memory_space<vmem>>
      %dma_wait3A_1003 = tpu.memref_squeeze %dma_wait3A_1002 : memref<1x128x32xf32, #tpu.memory_space<vmem>> -> memref<128x32xf32, #tpu.memory_space<vmem>>
      %dma_wait3A_1004 = arith.constant 0 : i32
      %dma_wait3A_1005 = tpu.memref_slice %arg4[%add3A_998, %dma_wait3A_1004] : memref<819200x32xf32, #tpu.memory_space<hbm>> -> memref<128x32xf32, #tpu.memory_space<hbm>>
      %dma_wait3A_1006 = arith.constant 0 : i32
      %dma_wait3A_1007 = tpu.memref_slice %arg4[%add3A_998, %dma_wait3A_1006] : memref<819200x32xf32, #tpu.memory_space<hbm>> -> memref<128x32xf32, #tpu.memory_space<hbm>>
      %dma_wait3A_1008 = arith.constant 0 : i32
      %dma_wait3A_1009 = arith.constant 0 : i32
      %dma_wait3A_1010 = tpu.memref_slice %arg7[%dma_wait3A_999, %dma_wait3A_1008, %dma_wait3A_1009] : memref<5x128x32xf32, #tpu.memory_space<vmem>> -> memref<1x128x32xf32, #tpu.memory_space<vmem>>
      %dma_wait3A_1011 = tpu.memref_squeeze %dma_wait3A_1010 : memref<1x128x32xf32, #tpu.memory_space<vmem>> -> memref<128x32xf32, #tpu.memory_space<vmem>>
      tpu.wait_dma2 semaphore(%arg11 : memref<!tpu.dma_semaphore, #tpu.memory_space<semaphore_mem>>) src(%dma_wait3A_1011 : memref<128x32xf32, #tpu.memory_space<vmem>>) dst(%dma_wait3A_1007 : memref<128x32xf32, #tpu.memory_space<hbm>>)
      %add3A_1012 = arith.constant 1 : i32
      %add3A_1013 = arith.addi %add3A_909, %add3A_1012 : i32
      %mul3A_1014 = arith.constant 5 : i32
      %mul3A_1015 = arith.muli %add3A_1013, %mul3A_1014 : i32
      %add3A_1016 = arith.constant 0 : i32
      %add3A_1017 = arith.addi %mul3A_1015, %add3A_1016 : i32
      %dma_start3A_1018 = arith.constant 0 : i32
      %dma_start3A_1019 = arith.constant 0 : i32
      %dma_start3A_1020 = arith.constant 0 : i32
      %dma_start3A_1021 = tpu.memref_slice %arg7[%dma_start3A_1018, %dma_start3A_1019, %dma_start3A_1020] : memref<5x128x32xf32, #tpu.memory_space<vmem>> -> memref<1x128x32xf32, #tpu.memory_space<vmem>>
      %dma_start3A_1022 = tpu.memref_squeeze %dma_start3A_1021 : memref<1x128x32xf32, #tpu.memory_space<vmem>> -> memref<128x32xf32, #tpu.memory_space<vmem>>
      %dma_start3A_1023 = arith.constant 0 : i32
      %dma_start3A_1024 = tpu.memref_slice %arg5[%add3A_1017, %dma_start3A_1023] : memref<200x128xi32, #tpu.memory_space<vmem>> -> memref<1x128xi32, #tpu.memory_space<vmem>>
      %dma_start3A_1025 = tpu.memref_squeeze %dma_start3A_1024 : memref<1x128xi32, #tpu.memory_space<vmem>> -> memref<128xi32, #tpu.memory_space<vmem>>
      %dma_start3A_1026 = arith.constant 0 : i32
      %dma_start3A_1027 = arith.constant 0 : i32
      %dma_start3A_1028 = tpu.memref_slice %arg3[%dma_start3A_1026, %dma_start3A_1027] : memref<1000000x32xf32, #tpu.memory_space<hbm>> -> memref<1000000x32xf32, #tpu.memory_space<hbm>>
      tpu.enqueue_indirect_dma source(%dma_start3A_1028 : memref<1000000x32xf32, #tpu.memory_space<hbm>>) target(%dma_start3A_1022 : memref<128x32xf32, #tpu.memory_space<vmem>>) offsets(%dma_start3A_1025 : memref<128xi32, #tpu.memory_space<vmem>>) semaphore(%arg9 : memref<!tpu.dma_semaphore, #tpu.memory_space<semaphore_mem>>)
      %mul3A_1029 = arith.constant 5 : i32
      %mul3A_1030 = arith.muli %add3A_1013, %mul3A_1029 : i32
      %add3A_1031 = arith.constant 1 : i32
      %add3A_1032 = arith.addi %mul3A_1030, %add3A_1031 : i32
      %dma_start3A_1033 = arith.constant 1 : i32
      %dma_start3A_1034 = arith.constant 0 : i32
      %dma_start3A_1035 = arith.constant 0 : i32
      %dma_start3A_1036 = tpu.memref_slice %arg7[%dma_start3A_1033, %dma_start3A_1034, %dma_start3A_1035] : memref<5x128x32xf32, #tpu.memory_space<vmem>> -> memref<1x128x32xf32, #tpu.memory_space<vmem>>
      %dma_start3A_1037 = tpu.memref_squeeze %dma_start3A_1036 : memref<1x128x32xf32, #tpu.memory_space<vmem>> -> memref<128x32xf32, #tpu.memory_space<vmem>>
      %dma_start3A_1038 = arith.constant 0 : i32
      %dma_start3A_1039 = tpu.memref_slice %arg5[%add3A_1032, %dma_start3A_1038] : memref<200x128xi32, #tpu.memory_space<vmem>> -> memref<1x128xi32, #tpu.memory_space<vmem>>
      %dma_start3A_1040 = tpu.memref_squeeze %dma_start3A_1039 : memref<1x128xi32, #tpu.memory_space<vmem>> -> memref<128xi32, #tpu.memory_space<vmem>>
      %dma_start3A_1041 = arith.constant 0 : i32
      %dma_start3A_1042 = arith.constant 0 : i32
      %dma_start3A_1043 = tpu.memref_slice %arg3[%dma_start3A_1041, %dma_start3A_1042] : memref<1000000x32xf32, #tpu.memory_space<hbm>> -> memref<1000000x32xf32, #tpu.memory_space<hbm>>
      tpu.enqueue_indirect_dma source(%dma_start3A_1043 : memref<1000000x32xf32, #tpu.memory_space<hbm>>) target(%dma_start3A_1037 : memref<128x32xf32, #tpu.memory_space<vmem>>) offsets(%dma_start3A_1040 : memref<128xi32, #tpu.memory_space<vmem>>) semaphore(%arg9 : memref<!tpu.dma_semaphore, #tpu.memory_space<semaphore_mem>>)
      %mul3A_1044 = arith.constant 5 : i32
      %mul3A_1045 = arith.muli %add3A_1013, %mul3A_1044 : i32
      %add3A_1046 = arith.constant 2 : i32
      %add3A_1047 = arith.addi %mul3A_1045, %add3A_1046 : i32
      %dma_start3A_1048 = arith.constant 2 : i32
      %dma_start3A_1049 = arith.constant 0 : i32
      %dma_start3A_1050 = arith.constant 0 : i32
      %dma_start3A_1051 = tpu.memref_slice %arg7[%dma_start3A_1048, %dma_start3A_1049, %dma_start3A_1050] : memref<5x128x32xf32, #tpu.memory_space<vmem>> -> memref<1x128x32xf32, #tpu.memory_space<vmem>>
      %dma_start3A_1052 = tpu.memref_squeeze %dma_start3A_1051 : memref<1x128x32xf32, #tpu.memory_space<vmem>> -> memref<128x32xf32, #tpu.memory_space<vmem>>
      %dma_start3A_1053 = arith.constant 0 : i32
      %dma_start3A_1054 = tpu.memref_slice %arg5[%add3A_1047, %dma_start3A_1053] : memref<200x128xi32, #tpu.memory_space<vmem>> -> memref<1x128xi32, #tpu.memory_space<vmem>>
      %dma_start3A_1055 = tpu.memref_squeeze %dma_start3A_1054 : memref<1x128xi32, #tpu.memory_space<vmem>> -> memref<128xi32, #tpu.memory_space<vmem>>
      %dma_start3A_1056 = arith.constant 0 : i32
      %dma_start3A_1057 = arith.constant 0 : i32
      %dma_start3A_1058 = tpu.memref_slice %arg3[%dma_start3A_1056, %dma_start3A_1057] : memref<1000000x32xf32, #tpu.memory_space<hbm>> -> memref<1000000x32xf32, #tpu.memory_space<hbm>>
      tpu.enqueue_indirect_dma source(%dma_start3A_1058 : memref<1000000x32xf32, #tpu.memory_space<hbm>>) target(%dma_start3A_1052 : memref<128x32xf32, #tpu.memory_space<vmem>>) offsets(%dma_start3A_1055 : memref<128xi32, #tpu.memory_space<vmem>>) semaphore(%arg9 : memref<!tpu.dma_semaphore, #tpu.memory_space<semaphore_mem>>)
      %mul3A_1059 = arith.constant 5 : i32
      %mul3A_1060 = arith.muli %add3A_1013, %mul3A_1059 : i32
      %add3A_1061 = arith.constant 3 : i32
      %add3A_1062 = arith.addi %mul3A_1060, %add3A_1061 : i32
      %dma_start3A_1063 = arith.constant 3 : i32
      %dma_start3A_1064 = arith.constant 0 : i32
      %dma_start3A_1065 = arith.constant 0 : i32
      %dma_start3A_1066 = tpu.memref_slice %arg7[%dma_start3A_1063, %dma_start3A_1064, %dma_start3A_1065] : memref<5x128x32xf32, #tpu.memory_space<vmem>> -> memref<1x128x32xf32, #tpu.memory_space<vmem>>
      %dma_start3A_1067 = tpu.memref_squeeze %dma_start3A_1066 : memref<1x128x32xf32, #tpu.memory_space<vmem>> -> memref<128x32xf32, #tpu.memory_space<vmem>>
      %dma_start3A_1068 = arith.constant 0 : i32
      %dma_start3A_1069 = tpu.memref_slice %arg5[%add3A_1062, %dma_start3A_1068] : memref<200x128xi32, #tpu.memory_space<vmem>> -> memref<1x128xi32, #tpu.memory_space<vmem>>
      %dma_start3A_1070 = tpu.memref_squeeze %dma_start3A_1069 : memref<1x128xi32, #tpu.memory_space<vmem>> -> memref<128xi32, #tpu.memory_space<vmem>>
      %dma_start3A_1071 = arith.constant 0 : i32
      %dma_start3A_1072 = arith.constant 0 : i32
      %dma_start3A_1073 = tpu.memref_slice %arg3[%dma_start3A_1071, %dma_start3A_1072] : memref<1000000x32xf32, #tpu.memory_space<hbm>> -> memref<1000000x32xf32, #tpu.memory_space<hbm>>
      tpu.enqueue_indirect_dma source(%dma_start3A_1073 : memref<1000000x32xf32, #tpu.memory_space<hbm>>) target(%dma_start3A_1067 : memref<128x32xf32, #tpu.memory_space<vmem>>) offsets(%dma_start3A_1070 : memref<128xi32, #tpu.memory_space<vmem>>) semaphore(%arg9 : memref<!tpu.dma_semaphore, #tpu.memory_space<semaphore_mem>>)
      %mul3A_1074 = arith.constant 5 : i32
      %mul3A_1075 = arith.muli %add3A_1013, %mul3A_1074 : i32
      %add3A_1076 = arith.constant 4 : i32
      %add3A_1077 = arith.addi %mul3A_1075, %add3A_1076 : i32
      %dma_start3A_1078 = arith.constant 4 : i32
      %dma_start3A_1079 = arith.constant 0 : i32
      %dma_start3A_1080 = arith.constant 0 : i32
      %dma_start3A_1081 = tpu.memref_slice %arg7[%dma_start3A_1078, %dma_start3A_1079, %dma_start3A_1080] : memref<5x128x32xf32, #tpu.memory_space<vmem>> -> memref<1x128x32xf32, #tpu.memory_space<vmem>>
      %dma_start3A_1082 = tpu.memref_squeeze %dma_start3A_1081 : memref<1x128x32xf32, #tpu.memory_space<vmem>> -> memref<128x32xf32, #tpu.memory_space<vmem>>
      %dma_start3A_1083 = arith.constant 0 : i32
      %dma_start3A_1084 = tpu.memref_slice %arg5[%add3A_1077, %dma_start3A_1083] : memref<200x128xi32, #tpu.memory_space<vmem>> -> memref<1x128xi32, #tpu.memory_space<vmem>>
      %dma_start3A_1085 = tpu.memref_squeeze %dma_start3A_1084 : memref<1x128xi32, #tpu.memory_space<vmem>> -> memref<128xi32, #tpu.memory_space<vmem>>
      %dma_start3A_1086 = arith.constant 0 : i32
      %dma_start3A_1087 = arith.constant 0 : i32
      %dma_start3A_1088 = tpu.memref_slice %arg3[%dma_start3A_1086, %dma_start3A_1087] : memref<1000000x32xf32, #tpu.memory_space<hbm>> -> memref<1000000x32xf32, #tpu.memory_space<hbm>>
      tpu.enqueue_indirect_dma source(%dma_start3A_1088 : memref<1000000x32xf32, #tpu.memory_space<hbm>>) target(%dma_start3A_1082 : memref<128x32xf32, #tpu.memory_space<vmem>>) offsets(%dma_start3A_1085 : memref<128xi32, #tpu.memory_space<vmem>>) semaphore(%arg9 : memref<!tpu.dma_semaphore, #tpu.memory_space<semaphore_mem>>)
      %mul3A_1089 = arith.constant 5 : i32
      %mul3A_1090 = arith.muli %add3A_909, %mul3A_1089 : i32
      %add3A_1091 = arith.constant 0 : i32
      %add3A_1092 = arith.addi %mul3A_1090, %add3A_1091 : i32
      %dma_wait3A_1093 = arith.constant 0 : i32
      %dma_wait3A_1094 = arith.constant 0 : i32
      %dma_wait3A_1095 = arith.constant 0 : i32
      %dma_wait3A_1096 = tpu.memref_slice %arg6[%dma_wait3A_1093, %dma_wait3A_1094, %dma_wait3A_1095] : memref<5x128x32xf32, #tpu.memory_space<vmem>> -> memref<1x128x32xf32, #tpu.memory_space<vmem>>
      %dma_wait3A_1097 = tpu.memref_squeeze %dma_wait3A_1096 : memref<1x128x32xf32, #tpu.memory_space<vmem>> -> memref<128x32xf32, #tpu.memory_space<vmem>>
      %dma_wait3A_1098 = arith.constant 0 : i32
      %dma_wait3A_1099 = tpu.memref_slice %arg5[%add3A_1092, %dma_wait3A_1098] : memref<200x128xi32, #tpu.memory_space<vmem>> -> memref<1x128xi32, #tpu.memory_space<vmem>>
      %dma_wait3A_1100 = tpu.memref_squeeze %dma_wait3A_1099 : memref<1x128xi32, #tpu.memory_space<vmem>> -> memref<128xi32, #tpu.memory_space<vmem>>
      %dma_wait3A_1101 = arith.constant 0 : i32
      %dma_wait3A_1102 = arith.constant 0 : i32
      %dma_wait3A_1103 = tpu.memref_slice %arg3[%dma_wait3A_1101, %dma_wait3A_1102] : memref<1000000x32xf32, #tpu.memory_space<hbm>> -> memref<1000000x32xf32, #tpu.memory_space<hbm>>
      tpu.wait_indirect_dma semaphore(%arg8 : memref<!tpu.dma_semaphore, #tpu.memory_space<semaphore_mem>>) src(%dma_wait3A_1103 : memref<1000000x32xf32, #tpu.memory_space<hbm>>) dst(%dma_wait3A_1097 : memref<128x32xf32, #tpu.memory_space<vmem>>)
      %mul3A_1104 = arith.constant 5 : i32
      %mul3A_1105 = arith.muli %add3A_909, %mul3A_1104 : i32
      %add3A_1106 = arith.constant 1 : i32
      %add3A_1107 = arith.addi %mul3A_1105, %add3A_1106 : i32
      %dma_wait3A_1108 = arith.constant 1 : i32
      %dma_wait3A_1109 = arith.constant 0 : i32
      %dma_wait3A_1110 = arith.constant 0 : i32
      %dma_wait3A_1111 = tpu.memref_slice %arg6[%dma_wait3A_1108, %dma_wait3A_1109, %dma_wait3A_1110] : memref<5x128x32xf32, #tpu.memory_space<vmem>> -> memref<1x128x32xf32, #tpu.memory_space<vmem>>
      %dma_wait3A_1112 = tpu.memref_squeeze %dma_wait3A_1111 : memref<1x128x32xf32, #tpu.memory_space<vmem>> -> memref<128x32xf32, #tpu.memory_space<vmem>>
      %dma_wait3A_1113 = arith.constant 0 : i32
      %dma_wait3A_1114 = tpu.memref_slice %arg5[%add3A_1107, %dma_wait3A_1113] : memref<200x128xi32, #tpu.memory_space<vmem>> -> memref<1x128xi32, #tpu.memory_space<vmem>>
      %dma_wait3A_1115 = tpu.memref_squeeze %dma_wait3A_1114 : memref<1x128xi32, #tpu.memory_space<vmem>> -> memref<128xi32, #tpu.memory_space<vmem>>
      %dma_wait3A_1116 = arith.constant 0 : i32
      %dma_wait3A_1117 = arith.constant 0 : i32
      %dma_wait3A_1118 = tpu.memref_slice %arg3[%dma_wait3A_1116, %dma_wait3A_1117] : memref<1000000x32xf32, #tpu.memory_space<hbm>> -> memref<1000000x32xf32, #tpu.memory_space<hbm>>
      tpu.wait_indirect_dma semaphore(%arg8 : memref<!tpu.dma_semaphore, #tpu.memory_space<semaphore_mem>>) src(%dma_wait3A_1118 : memref<1000000x32xf32, #tpu.memory_space<hbm>>) dst(%dma_wait3A_1112 : memref<128x32xf32, #tpu.memory_space<vmem>>)
      %mul3A_1119 = arith.constant 5 : i32
      %mul3A_1120 = arith.muli %add3A_909, %mul3A_1119 : i32
      %add3A_1121 = arith.constant 2 : i32
      %add3A_1122 = arith.addi %mul3A_1120, %add3A_1121 : i32
      %dma_wait3A_1123 = arith.constant 2 : i32
      %dma_wait3A_1124 = arith.constant 0 : i32
      %dma_wait3A_1125 = arith.constant 0 : i32
      %dma_wait3A_1126 = tpu.memref_slice %arg6[%dma_wait3A_1123, %dma_wait3A_1124, %dma_wait3A_1125] : memref<5x128x32xf32, #tpu.memory_space<vmem>> -> memref<1x128x32xf32, #tpu.memory_space<vmem>>
      %dma_wait3A_1127 = tpu.memref_squeeze %dma_wait3A_1126 : memref<1x128x32xf32, #tpu.memory_space<vmem>> -> memref<128x32xf32, #tpu.memory_space<vmem>>
      %dma_wait3A_1128 = arith.constant 0 : i32
      %dma_wait3A_1129 = tpu.memref_slice %arg5[%add3A_1122, %dma_wait3A_1128] : memref<200x128xi32, #tpu.memory_space<vmem>> -> memref<1x128xi32, #tpu.memory_space<vmem>>
      %dma_wait3A_1130 = tpu.memref_squeeze %dma_wait3A_1129 : memref<1x128xi32, #tpu.memory_space<vmem>> -> memref<128xi32, #tpu.memory_space<vmem>>
      %dma_wait3A_1131 = arith.constant 0 : i32
      %dma_wait3A_1132 = arith.constant 0 : i32
      %dma_wait3A_1133 = tpu.memref_slice %arg3[%dma_wait3A_1131, %dma_wait3A_1132] : memref<1000000x32xf32, #tpu.memory_space<hbm>> -> memref<1000000x32xf32, #tpu.memory_space<hbm>>
      tpu.wait_indirect_dma semaphore(%arg8 : memref<!tpu.dma_semaphore, #tpu.memory_space<semaphore_mem>>) src(%dma_wait3A_1133 : memref<1000000x32xf32, #tpu.memory_space<hbm>>) dst(%dma_wait3A_1127 : memref<128x32xf32, #tpu.memory_space<vmem>>)
      %mul3A_1134 = arith.constant 5 : i32
      %mul3A_1135 = arith.muli %add3A_909, %mul3A_1134 : i32
      %add3A_1136 = arith.constant 3 : i32
      %add3A_1137 = arith.addi %mul3A_1135, %add3A_1136 : i32
      %dma_wait3A_1138 = arith.constant 3 : i32
      %dma_wait3A_1139 = arith.constant 0 : i32
      %dma_wait3A_1140 = arith.constant 0 : i32
      %dma_wait3A_1141 = tpu.memref_slice %arg6[%dma_wait3A_1138, %dma_wait3A_1139, %dma_wait3A_1140] : memref<5x128x32xf32, #tpu.memory_space<vmem>> -> memref<1x128x32xf32, #tpu.memory_space<vmem>>
      %dma_wait3A_1142 = tpu.memref_squeeze %dma_wait3A_1141 : memref<1x128x32xf32, #tpu.memory_space<vmem>> -> memref<128x32xf32, #tpu.memory_space<vmem>>
      %dma_wait3A_1143 = arith.constant 0 : i32
      %dma_wait3A_1144 = tpu.memref_slice %arg5[%add3A_1137, %dma_wait3A_1143] : memref<200x128xi32, #tpu.memory_space<vmem>> -> memref<1x128xi32, #tpu.memory_space<vmem>>
      %dma_wait3A_1145 = tpu.memref_squeeze %dma_wait3A_1144 : memref<1x128xi32, #tpu.memory_space<vmem>> -> memref<128xi32, #tpu.memory_space<vmem>>
      %dma_wait3A_1146 = arith.constant 0 : i32
      %dma_wait3A_1147 = arith.constant 0 : i32
      %dma_wait3A_1148 = tpu.memref_slice %arg3[%dma_wait3A_1146, %dma_wait3A_1147] : memref<1000000x32xf32, #tpu.memory_space<hbm>> -> memref<1000000x32xf32, #tpu.memory_space<hbm>>
      tpu.wait_indirect_dma semaphore(%arg8 : memref<!tpu.dma_semaphore, #tpu.memory_space<semaphore_mem>>) src(%dma_wait3A_1148 : memref<1000000x32xf32, #tpu.memory_space<hbm>>) dst(%dma_wait3A_1142 : memref<128x32xf32, #tpu.memory_space<vmem>>)
      %mul3A_1149 = arith.constant 5 : i32
      %mul3A_1150 = arith.muli %add3A_909, %mul3A_1149 : i32
      %add3A_1151 = arith.constant 4 : i32
      %add3A_1152 = arith.addi %mul3A_1150, %add3A_1151 : i32
      %dma_wait3A_1153 = arith.constant 4 : i32
      %dma_wait3A_1154 = arith.constant 0 : i32
      %dma_wait3A_1155 = arith.constant 0 : i32
      %dma_wait3A_1156 = tpu.memref_slice %arg6[%dma_wait3A_1153, %dma_wait3A_1154, %dma_wait3A_1155] : memref<5x128x32xf32, #tpu.memory_space<vmem>> -> memref<1x128x32xf32, #tpu.memory_space<vmem>>
      %dma_wait3A_1157 = tpu.memref_squeeze %dma_wait3A_1156 : memref<1x128x32xf32, #tpu.memory_space<vmem>> -> memref<128x32xf32, #tpu.memory_space<vmem>>
      %dma_wait3A_1158 = arith.constant 0 : i32
      %dma_wait3A_1159 = tpu.memref_slice %arg5[%add3A_1152, %dma_wait3A_1158] : memref<200x128xi32, #tpu.memory_space<vmem>> -> memref<1x128xi32, #tpu.memory_space<vmem>>
      %dma_wait3A_1160 = tpu.memref_squeeze %dma_wait3A_1159 : memref<1x128xi32, #tpu.memory_space<vmem>> -> memref<128xi32, #tpu.memory_space<vmem>>
      %dma_wait3A_1161 = arith.constant 0 : i32
      %dma_wait3A_1162 = arith.constant 0 : i32
      %dma_wait3A_1163 = tpu.memref_slice %arg3[%dma_wait3A_1161, %dma_wait3A_1162] : memref<1000000x32xf32, #tpu.memory_space<hbm>> -> memref<1000000x32xf32, #tpu.memory_space<hbm>>
      tpu.wait_indirect_dma semaphore(%arg8 : memref<!tpu.dma_semaphore, #tpu.memory_space<semaphore_mem>>) src(%dma_wait3A_1163 : memref<1000000x32xf32, #tpu.memory_space<hbm>>) dst(%dma_wait3A_1157 : memref<128x32xf32, #tpu.memory_space<vmem>>)
      %mul3A_1164 = arith.constant 5 : i32
      %mul3A_1165 = arith.muli %add3A_909, %mul3A_1164 : i32
      %add3A_1166 = arith.constant 0 : i32
      %add3A_1167 = arith.addi %mul3A_1165, %add3A_1166 : i32
      %mul3A_1168 = arith.constant 128 : i32
      %mul3A_1169 = arith.muli %add3A_1167, %mul3A_1168 : i32
      %add3A_1170 = arith.addi %mul3A_2, %mul3A_1169 : i32
      %dma_start3A_1171 = arith.constant 0 : i32
      %dma_start3A_1172 = arith.constant 0 : i32
      %dma_start3A_1173 = arith.constant 0 : i32
      %dma_start3A_1174 = tpu.memref_slice %arg6[%dma_start3A_1171, %dma_start3A_1172, %dma_start3A_1173] : memref<5x128x32xf32, #tpu.memory_space<vmem>> -> memref<1x128x32xf32, #tpu.memory_space<vmem>>
      %dma_start3A_1175 = tpu.memref_squeeze %dma_start3A_1174 : memref<1x128x32xf32, #tpu.memory_space<vmem>> -> memref<128x32xf32, #tpu.memory_space<vmem>>
      %dma_start3A_1176 = arith.constant 0 : i32
      %dma_start3A_1177 = tpu.memref_slice %arg4[%add3A_1170, %dma_start3A_1176] : memref<819200x32xf32, #tpu.memory_space<hbm>> -> memref<128x32xf32, #tpu.memory_space<hbm>>
      %dma_start3A_1178 = arith.constant 0 : i32
      %dma_start3A_1179 = tpu.memref_slice %arg4[%add3A_1170, %dma_start3A_1178] : memref<819200x32xf32, #tpu.memory_space<hbm>> -> memref<128x32xf32, #tpu.memory_space<hbm>>
      %dma_start3A_1180 = arith.constant 0 : i32
      %dma_start3A_1181 = arith.constant 0 : i32
      %dma_start3A_1182 = tpu.memref_slice %arg6[%dma_start3A_1171, %dma_start3A_1180, %dma_start3A_1181] : memref<5x128x32xf32, #tpu.memory_space<vmem>> -> memref<1x128x32xf32, #tpu.memory_space<vmem>>
      %dma_start3A_1183 = tpu.memref_squeeze %dma_start3A_1182 : memref<1x128x32xf32, #tpu.memory_space<vmem>> -> memref<128x32xf32, #tpu.memory_space<vmem>>
      tpu.enqueue_dma source(%dma_start3A_1183 : memref<128x32xf32, #tpu.memory_space<vmem>>) target(%dma_start3A_1179 : memref<128x32xf32, #tpu.memory_space<hbm>>) target_semaphore(%arg10 : memref<!tpu.dma_semaphore, #tpu.memory_space<semaphore_mem>>)
      %mul3A_1184 = arith.constant 5 : i32
      %mul3A_1185 = arith.muli %add3A_909, %mul3A_1184 : i32
      %add3A_1186 = arith.constant 1 : i32
      %add3A_1187 = arith.addi %mul3A_1185, %add3A_1186 : i32
      %mul3A_1188 = arith.constant 128 : i32
      %mul3A_1189 = arith.muli %add3A_1187, %mul3A_1188 : i32
      %add3A_1190 = arith.addi %mul3A_2, %mul3A_1189 : i32
      %dma_start3A_1191 = arith.constant 1 : i32
      %dma_start3A_1192 = arith.constant 0 : i32
      %dma_start3A_1193 = arith.constant 0 : i32
      %dma_start3A_1194 = tpu.memref_slice %arg6[%dma_start3A_1191, %dma_start3A_1192, %dma_start3A_1193] : memref<5x128x32xf32, #tpu.memory_space<vmem>> -> memref<1x128x32xf32, #tpu.memory_space<vmem>>
      %dma_start3A_1195 = tpu.memref_squeeze %dma_start3A_1194 : memref<1x128x32xf32, #tpu.memory_space<vmem>> -> memref<128x32xf32, #tpu.memory_space<vmem>>
      %dma_start3A_1196 = arith.constant 0 : i32
      %dma_start3A_1197 = tpu.memref_slice %arg4[%add3A_1190, %dma_start3A_1196] : memref<819200x32xf32, #tpu.memory_space<hbm>> -> memref<128x32xf32, #tpu.memory_space<hbm>>
      %dma_start3A_1198 = arith.constant 0 : i32
      %dma_start3A_1199 = tpu.memref_slice %arg4[%add3A_1190, %dma_start3A_1198] : memref<819200x32xf32, #tpu.memory_space<hbm>> -> memref<128x32xf32, #tpu.memory_space<hbm>>
      %dma_start3A_1200 = arith.constant 0 : i32
      %dma_start3A_1201 = arith.constant 0 : i32
      %dma_start3A_1202 = tpu.memref_slice %arg6[%dma_start3A_1191, %dma_start3A_1200, %dma_start3A_1201] : memref<5x128x32xf32, #tpu.memory_space<vmem>> -> memref<1x128x32xf32, #tpu.memory_space<vmem>>
      %dma_start3A_1203 = tpu.memref_squeeze %dma_start3A_1202 : memref<1x128x32xf32, #tpu.memory_space<vmem>> -> memref<128x32xf32, #tpu.memory_space<vmem>>
      tpu.enqueue_dma source(%dma_start3A_1203 : memref<128x32xf32, #tpu.memory_space<vmem>>) target(%dma_start3A_1199 : memref<128x32xf32, #tpu.memory_space<hbm>>) target_semaphore(%arg10 : memref<!tpu.dma_semaphore, #tpu.memory_space<semaphore_mem>>)
      %mul3A_1204 = arith.constant 5 : i32
      %mul3A_1205 = arith.muli %add3A_909, %mul3A_1204 : i32
      %add3A_1206 = arith.constant 2 : i32
      %add3A_1207 = arith.addi %mul3A_1205, %add3A_1206 : i32
      %mul3A_1208 = arith.constant 128 : i32
      %mul3A_1209 = arith.muli %add3A_1207, %mul3A_1208 : i32
      %add3A_1210 = arith.addi %mul3A_2, %mul3A_1209 : i32
      %dma_start3A_1211 = arith.constant 2 : i32
      %dma_start3A_1212 = arith.constant 0 : i32
      %dma_start3A_1213 = arith.constant 0 : i32
      %dma_start3A_1214 = tpu.memref_slice %arg6[%dma_start3A_1211, %dma_start3A_1212, %dma_start3A_1213] : memref<5x128x32xf32, #tpu.memory_space<vmem>> -> memref<1x128x32xf32, #tpu.memory_space<vmem>>
      %dma_start3A_1215 = tpu.memref_squeeze %dma_start3A_1214 : memref<1x128x32xf32, #tpu.memory_space<vmem>> -> memref<128x32xf32, #tpu.memory_space<vmem>>
      %dma_start3A_1216 = arith.constant 0 : i32
      %dma_start3A_1217 = tpu.memref_slice %arg4[%add3A_1210, %dma_start3A_1216] : memref<819200x32xf32, #tpu.memory_space<hbm>> -> memref<128x32xf32, #tpu.memory_space<hbm>>
      %dma_start3A_1218 = arith.constant 0 : i32
      %dma_start3A_1219 = tpu.memref_slice %arg4[%add3A_1210, %dma_start3A_1218] : memref<819200x32xf32, #tpu.memory_space<hbm>> -> memref<128x32xf32, #tpu.memory_space<hbm>>
      %dma_start3A_1220 = arith.constant 0 : i32
      %dma_start3A_1221 = arith.constant 0 : i32
      %dma_start3A_1222 = tpu.memref_slice %arg6[%dma_start3A_1211, %dma_start3A_1220, %dma_start3A_1221] : memref<5x128x32xf32, #tpu.memory_space<vmem>> -> memref<1x128x32xf32, #tpu.memory_space<vmem>>
      %dma_start3A_1223 = tpu.memref_squeeze %dma_start3A_1222 : memref<1x128x32xf32, #tpu.memory_space<vmem>> -> memref<128x32xf32, #tpu.memory_space<vmem>>
      tpu.enqueue_dma source(%dma_start3A_1223 : memref<128x32xf32, #tpu.memory_space<vmem>>) target(%dma_start3A_1219 : memref<128x32xf32, #tpu.memory_space<hbm>>) target_semaphore(%arg10 : memref<!tpu.dma_semaphore, #tpu.memory_space<semaphore_mem>>)
      %mul3A_1224 = arith.constant 5 : i32
      %mul3A_1225 = arith.muli %add3A_909, %mul3A_1224 : i32
      %add3A_1226 = arith.constant 3 : i32
      %add3A_1227 = arith.addi %mul3A_1225, %add3A_1226 : i32
      %mul3A_1228 = arith.constant 128 : i32
      %mul3A_1229 = arith.muli %add3A_1227, %mul3A_1228 : i32
      %add3A_1230 = arith.addi %mul3A_2, %mul3A_1229 : i32
      %dma_start3A_1231 = arith.constant 3 : i32
      %dma_start3A_1232 = arith.constant 0 : i32
      %dma_start3A_1233 = arith.constant 0 : i32
      %dma_start3A_1234 = tpu.memref_slice %arg6[%dma_start3A_1231, %dma_start3A_1232, %dma_start3A_1233] : memref<5x128x32xf32, #tpu.memory_space<vmem>> -> memref<1x128x32xf32, #tpu.memory_space<vmem>>
      %dma_start3A_1235 = tpu.memref_squeeze %dma_start3A_1234 : memref<1x128x32xf32, #tpu.memory_space<vmem>> -> memref<128x32xf32, #tpu.memory_space<vmem>>
      %dma_start3A_1236 = arith.constant 0 : i32
      %dma_start3A_1237 = tpu.memref_slice %arg4[%add3A_1230, %dma_start3A_1236] : memref<819200x32xf32, #tpu.memory_space<hbm>> -> memref<128x32xf32, #tpu.memory_space<hbm>>
      %dma_start3A_1238 = arith.constant 0 : i32
      %dma_start3A_1239 = tpu.memref_slice %arg4[%add3A_1230, %dma_start3A_1238] : memref<819200x32xf32, #tpu.memory_space<hbm>> -> memref<128x32xf32, #tpu.memory_space<hbm>>
      %dma_start3A_1240 = arith.constant 0 : i32
      %dma_start3A_1241 = arith.constant 0 : i32
      %dma_start3A_1242 = tpu.memref_slice %arg6[%dma_start3A_1231, %dma_start3A_1240, %dma_start3A_1241] : memref<5x128x32xf32, #tpu.memory_space<vmem>> -> memref<1x128x32xf32, #tpu.memory_space<vmem>>
      %dma_start3A_1243 = tpu.memref_squeeze %dma_start3A_1242 : memref<1x128x32xf32, #tpu.memory_space<vmem>> -> memref<128x32xf32, #tpu.memory_space<vmem>>
      tpu.enqueue_dma source(%dma_start3A_1243 : memref<128x32xf32, #tpu.memory_space<vmem>>) target(%dma_start3A_1239 : memref<128x32xf32, #tpu.memory_space<hbm>>) target_semaphore(%arg10 : memref<!tpu.dma_semaphore, #tpu.memory_space<semaphore_mem>>)
      %mul3A_1244 = arith.constant 5 : i32
      %mul3A_1245 = arith.muli %add3A_909, %mul3A_1244 : i32
      %add3A_1246 = arith.constant 4 : i32
      %add3A_1247 = arith.addi %mul3A_1245, %add3A_1246 : i32
      %mul3A_1248 = arith.constant 128 : i32
      %mul3A_1249 = arith.muli %add3A_1247, %mul3A_1248 : i32
      %add3A_1250 = arith.addi %mul3A_2, %mul3A_1249 : i32
      %dma_start3A_1251 = arith.constant 4 : i32
      %dma_start3A_1252 = arith.constant 0 : i32
      %dma_start3A_1253 = arith.constant 0 : i32
      %dma_start3A_1254 = tpu.memref_slice %arg6[%dma_start3A_1251, %dma_start3A_1252, %dma_start3A_1253] : memref<5x128x32xf32, #tpu.memory_space<vmem>> -> memref<1x128x32xf32, #tpu.memory_space<vmem>>
      %dma_start3A_1255 = tpu.memref_squeeze %dma_start3A_1254 : memref<1x128x32xf32, #tpu.memory_space<vmem>> -> memref<128x32xf32, #tpu.memory_space<vmem>>
      %dma_start3A_1256 = arith.constant 0 : i32
      %dma_start3A_1257 = tpu.memref_slice %arg4[%add3A_1250, %dma_start3A_1256] : memref<819200x32xf32, #tpu.memory_space<hbm>> -> memref<128x32xf32, #tpu.memory_space<hbm>>
      %dma_start3A_1258 = arith.constant 0 : i32
      %dma_start3A_1259 = tpu.memref_slice %arg4[%add3A_1250, %dma_start3A_1258] : memref<819200x32xf32, #tpu.memory_space<hbm>> -> memref<128x32xf32, #tpu.memory_space<hbm>>
      %dma_start3A_1260 = arith.constant 0 : i32
      %dma_start3A_1261 = arith.constant 0 : i32
      %dma_start3A_1262 = tpu.memref_slice %arg6[%dma_start3A_1251, %dma_start3A_1260, %dma_start3A_1261] : memref<5x128x32xf32, #tpu.memory_space<vmem>> -> memref<1x128x32xf32, #tpu.memory_space<vmem>>
      %dma_start3A_1263 = tpu.memref_squeeze %dma_start3A_1262 : memref<1x128x32xf32, #tpu.memory_space<vmem>> -> memref<128x32xf32, #tpu.memory_space<vmem>>
      tpu.enqueue_dma source(%dma_start3A_1263 : memref<128x32xf32, #tpu.memory_space<vmem>>) target(%dma_start3A_1259 : memref<128x32xf32, #tpu.memory_space<hbm>>) target_semaphore(%arg10 : memref<!tpu.dma_semaphore, #tpu.memory_space<semaphore_mem>>)
      %scan3A_1264 = arith.constant 0 : i32
      scf.yield %scan3A_1264 : i32
    }
    %scan3A_261 = arith.constant 19 : i32
    %add3A_262 = arith.constant 24320 : i32
    %add3A_263 = arith.addi %mul3A_2, %add3A_262 : i32
    %dma_wait3A_264 = arith.constant 0 : i32
    %dma_wait3A_265 = arith.constant 0 : i32
    %dma_wait3A_266 = arith.constant 0 : i32
    %dma_wait3A_267 = tpu.memref_slice %arg6[%dma_wait3A_264, %dma_wait3A_265, %dma_wait3A_266] : memref<5x128x32xf32, #tpu.memory_space<vmem>> -> memref<1x128x32xf32, #tpu.memory_space<vmem>>
    %dma_wait3A_268 = tpu.memref_squeeze %dma_wait3A_267 : memref<1x128x32xf32, #tpu.memory_space<vmem>> -> memref<128x32xf32, #tpu.memory_space<vmem>>
    %dma_wait3A_269 = arith.constant 0 : i32
    %dma_wait3A_270 = tpu.memref_slice %arg4[%add3A_263, %dma_wait3A_269] : memref<819200x32xf32, #tpu.memory_space<hbm>> -> memref<128x32xf32, #tpu.memory_space<hbm>>
    %dma_wait3A_271 = arith.constant 0 : i32
    %dma_wait3A_272 = tpu.memref_slice %arg4[%add3A_263, %dma_wait3A_271] : memref<819200x32xf32, #tpu.memory_space<hbm>> -> memref<128x32xf32, #tpu.memory_space<hbm>>
    %dma_wait3A_273 = arith.constant 0 : i32
    %dma_wait3A_274 = arith.constant 0 : i32
    %dma_wait3A_275 = tpu.memref_slice %arg6[%dma_wait3A_264, %dma_wait3A_273, %dma_wait3A_274] : memref<5x128x32xf32, #tpu.memory_space<vmem>> -> memref<1x128x32xf32, #tpu.memory_space<vmem>>
    %dma_wait3A_276 = tpu.memref_squeeze %dma_wait3A_275 : memref<1x128x32xf32, #tpu.memory_space<vmem>> -> memref<128x32xf32, #tpu.memory_space<vmem>>
    tpu.wait_dma2 semaphore(%arg10 : memref<!tpu.dma_semaphore, #tpu.memory_space<semaphore_mem>>) src(%dma_wait3A_276 : memref<128x32xf32, #tpu.memory_space<vmem>>) dst(%dma_wait3A_272 : memref<128x32xf32, #tpu.memory_space<hbm>>)
    %add3A_277 = arith.constant 24448 : i32
    %add3A_278 = arith.addi %mul3A_2, %add3A_277 : i32
    %dma_wait3A_279 = arith.constant 1 : i32
    %dma_wait3A_280 = arith.constant 0 : i32
    %dma_wait3A_281 = arith.constant 0 : i32
    %dma_wait3A_282 = tpu.memref_slice %arg6[%dma_wait3A_279, %dma_wait3A_280, %dma_wait3A_281] : memref<5x128x32xf32, #tpu.memory_space<vmem>> -> memref<1x128x32xf32, #tpu.memory_space<vmem>>
    %dma_wait3A_283 = tpu.memref_squeeze %dma_wait3A_282 : memref<1x128x32xf32, #tpu.memory_space<vmem>> -> memref<128x32xf32, #tpu.memory_space<vmem>>
    %dma_wait3A_284 = arith.constant 0 : i32
    %dma_wait3A_285 = tpu.memref_slice %arg4[%add3A_278, %dma_wait3A_284] : memref<819200x32xf32, #tpu.memory_space<hbm>> -> memref<128x32xf32, #tpu.memory_space<hbm>>
    %dma_wait3A_286 = arith.constant 0 : i32
    %dma_wait3A_287 = tpu.memref_slice %arg4[%add3A_278, %dma_wait3A_286] : memref<819200x32xf32, #tpu.memory_space<hbm>> -> memref<128x32xf32, #tpu.memory_space<hbm>>
    %dma_wait3A_288 = arith.constant 0 : i32
    %dma_wait3A_289 = arith.constant 0 : i32
    %dma_wait3A_290 = tpu.memref_slice %arg6[%dma_wait3A_279, %dma_wait3A_288, %dma_wait3A_289] : memref<5x128x32xf32, #tpu.memory_space<vmem>> -> memref<1x128x32xf32, #tpu.memory_space<vmem>>
    %dma_wait3A_291 = tpu.memref_squeeze %dma_wait3A_290 : memref<1x128x32xf32, #tpu.memory_space<vmem>> -> memref<128x32xf32, #tpu.memory_space<vmem>>
    tpu.wait_dma2 semaphore(%arg10 : memref<!tpu.dma_semaphore, #tpu.memory_space<semaphore_mem>>) src(%dma_wait3A_291 : memref<128x32xf32, #tpu.memory_space<vmem>>) dst(%dma_wait3A_287 : memref<128x32xf32, #tpu.memory_space<hbm>>)
    %add3A_292 = arith.constant 24576 : i32
    %add3A_293 = arith.addi %mul3A_2, %add3A_292 : i32
    %dma_wait3A_294 = arith.constant 2 : i32
    %dma_wait3A_295 = arith.constant 0 : i32
    %dma_wait3A_296 = arith.constant 0 : i32
    %dma_wait3A_297 = tpu.memref_slice %arg6[%dma_wait3A_294, %dma_wait3A_295, %dma_wait3A_296] : memref<5x128x32xf32, #tpu.memory_space<vmem>> -> memref<1x128x32xf32, #tpu.memory_space<vmem>>
    %dma_wait3A_298 = tpu.memref_squeeze %dma_wait3A_297 : memref<1x128x32xf32, #tpu.memory_space<vmem>> -> memref<128x32xf32, #tpu.memory_space<vmem>>
    %dma_wait3A_299 = arith.constant 0 : i32
    %dma_wait3A_300 = tpu.memref_slice %arg4[%add3A_293, %dma_wait3A_299] : memref<819200x32xf32, #tpu.memory_space<hbm>> -> memref<128x32xf32, #tpu.memory_space<hbm>>
    %dma_wait3A_301 = arith.constant 0 : i32
    %dma_wait3A_302 = tpu.memref_slice %arg4[%add3A_293, %dma_wait3A_301] : memref<819200x32xf32, #tpu.memory_space<hbm>> -> memref<128x32xf32, #tpu.memory_space<hbm>>
    %dma_wait3A_303 = arith.constant 0 : i32
    %dma_wait3A_304 = arith.constant 0 : i32
    %dma_wait3A_305 = tpu.memref_slice %arg6[%dma_wait3A_294, %dma_wait3A_303, %dma_wait3A_304] : memref<5x128x32xf32, #tpu.memory_space<vmem>> -> memref<1x128x32xf32, #tpu.memory_space<vmem>>
    %dma_wait3A_306 = tpu.memref_squeeze %dma_wait3A_305 : memref<1x128x32xf32, #tpu.memory_space<vmem>> -> memref<128x32xf32, #tpu.memory_space<vmem>>
    tpu.wait_dma2 semaphore(%arg10 : memref<!tpu.dma_semaphore, #tpu.memory_space<semaphore_mem>>) src(%dma_wait3A_306 : memref<128x32xf32, #tpu.memory_space<vmem>>) dst(%dma_wait3A_302 : memref<128x32xf32, #tpu.memory_space<hbm>>)
    %add3A_307 = arith.constant 24704 : i32
    %add3A_308 = arith.addi %mul3A_2, %add3A_307 : i32
    %dma_wait3A_309 = arith.constant 3 : i32
    %dma_wait3A_310 = arith.constant 0 : i32
    %dma_wait3A_311 = arith.constant 0 : i32
    %dma_wait3A_312 = tpu.memref_slice %arg6[%dma_wait3A_309, %dma_wait3A_310, %dma_wait3A_311] : memref<5x128x32xf32, #tpu.memory_space<vmem>> -> memref<1x128x32xf32, #tpu.memory_space<vmem>>
    %dma_wait3A_313 = tpu.memref_squeeze %dma_wait3A_312 : memref<1x128x32xf32, #tpu.memory_space<vmem>> -> memref<128x32xf32, #tpu.memory_space<vmem>>
    %dma_wait3A_314 = arith.constant 0 : i32
    %dma_wait3A_315 = tpu.memref_slice %arg4[%add3A_308, %dma_wait3A_314] : memref<819200x32xf32, #tpu.memory_space<hbm>> -> memref<128x32xf32, #tpu.memory_space<hbm>>
    %dma_wait3A_316 = arith.constant 0 : i32
    %dma_wait3A_317 = tpu.memref_slice %arg4[%add3A_308, %dma_wait3A_316] : memref<819200x32xf32, #tpu.memory_space<hbm>> -> memref<128x32xf32, #tpu.memory_space<hbm>>
    %dma_wait3A_318 = arith.constant 0 : i32
    %dma_wait3A_319 = arith.constant 0 : i32
    %dma_wait3A_320 = tpu.memref_slice %arg6[%dma_wait3A_309, %dma_wait3A_318, %dma_wait3A_319] : memref<5x128x32xf32, #tpu.memory_space<vmem>> -> memref<1x128x32xf32, #tpu.memory_space<vmem>>
    %dma_wait3A_321 = tpu.memref_squeeze %dma_wait3A_320 : memref<1x128x32xf32, #tpu.memory_space<vmem>> -> memref<128x32xf32, #tpu.memory_space<vmem>>
    tpu.wait_dma2 semaphore(%arg10 : memref<!tpu.dma_semaphore, #tpu.memory_space<semaphore_mem>>) src(%dma_wait3A_321 : memref<128x32xf32, #tpu.memory_space<vmem>>) dst(%dma_wait3A_317 : memref<128x32xf32, #tpu.memory_space<hbm>>)
    %add3A_322 = arith.constant 24832 : i32
    %add3A_323 = arith.addi %mul3A_2, %add3A_322 : i32
    %dma_wait3A_324 = arith.constant 4 : i32
    %dma_wait3A_325 = arith.constant 0 : i32
    %dma_wait3A_326 = arith.constant 0 : i32
    %dma_wait3A_327 = tpu.memref_slice %arg6[%dma_wait3A_324, %dma_wait3A_325, %dma_wait3A_326] : memref<5x128x32xf32, #tpu.memory_space<vmem>> -> memref<1x128x32xf32, #tpu.memory_space<vmem>>
    %dma_wait3A_328 = tpu.memref_squeeze %dma_wait3A_327 : memref<1x128x32xf32, #tpu.memory_space<vmem>> -> memref<128x32xf32, #tpu.memory_space<vmem>>
    %dma_wait3A_329 = arith.constant 0 : i32
    %dma_wait3A_330 = tpu.memref_slice %arg4[%add3A_323, %dma_wait3A_329] : memref<819200x32xf32, #tpu.memory_space<hbm>> -> memref<128x32xf32, #tpu.memory_space<hbm>>
    %dma_wait3A_331 = arith.constant 0 : i32
    %dma_wait3A_332 = tpu.memref_slice %arg4[%add3A_323, %dma_wait3A_331] : memref<819200x32xf32, #tpu.memory_space<hbm>> -> memref<128x32xf32, #tpu.memory_space<hbm>>
    %dma_wait3A_333 = arith.constant 0 : i32
    %dma_wait3A_334 = arith.constant 0 : i32
    %dma_wait3A_335 = tpu.memref_slice %arg6[%dma_wait3A_324, %dma_wait3A_333, %dma_wait3A_334] : memref<5x128x32xf32, #tpu.memory_space<vmem>> -> memref<1x128x32xf32, #tpu.memory_space<vmem>>
    %dma_wait3A_336 = tpu.memref_squeeze %dma_wait3A_335 : memref<1x128x32xf32, #tpu.memory_space<vmem>> -> memref<128x32xf32, #tpu.memory_space<vmem>>
    tpu.wait_dma2 semaphore(%arg10 : memref<!tpu.dma_semaphore, #tpu.memory_space<semaphore_mem>>) src(%dma_wait3A_336 : memref<128x32xf32, #tpu.memory_space<vmem>>) dst(%dma_wait3A_332 : memref<128x32xf32, #tpu.memory_space<hbm>>)
    %dma_wait3A_337 = arith.constant 195 : i32
    %dma_wait3A_338 = arith.constant 0 : i32
    %dma_wait3A_339 = arith.constant 0 : i32
    %dma_wait3A_340 = arith.constant 0 : i32
    %dma_wait3A_341 = tpu.memref_slice %arg7[%dma_wait3A_338, %dma_wait3A_339, %dma_wait3A_340] : memref<5x128x32xf32, #tpu.memory_space<vmem>> -> memref<1x128x32xf32, #tpu.memory_space<vmem>>
    %dma_wait3A_342 = tpu.memref_squeeze %dma_wait3A_341 : memref<1x128x32xf32, #tpu.memory_space<vmem>> -> memref<128x32xf32, #tpu.memory_space<vmem>>
    %dma_wait3A_343 = arith.constant 0 : i32
    %dma_wait3A_344 = tpu.memref_slice %arg5[%dma_wait3A_337, %dma_wait3A_343] : memref<200x128xi32, #tpu.memory_space<vmem>> -> memref<1x128xi32, #tpu.memory_space<vmem>>
    %dma_wait3A_345 = tpu.memref_squeeze %dma_wait3A_344 : memref<1x128xi32, #tpu.memory_space<vmem>> -> memref<128xi32, #tpu.memory_space<vmem>>
    %dma_wait3A_346 = arith.constant 0 : i32
    %dma_wait3A_347 = arith.constant 0 : i32
    %dma_wait3A_348 = tpu.memref_slice %arg3[%dma_wait3A_346, %dma_wait3A_347] : memref<1000000x32xf32, #tpu.memory_space<hbm>> -> memref<1000000x32xf32, #tpu.memory_space<hbm>>
    tpu.wait_indirect_dma semaphore(%arg9 : memref<!tpu.dma_semaphore, #tpu.memory_space<semaphore_mem>>) src(%dma_wait3A_348 : memref<1000000x32xf32, #tpu.memory_space<hbm>>) dst(%dma_wait3A_342 : memref<128x32xf32, #tpu.memory_space<vmem>>)
    %dma_wait3A_349 = arith.constant 196 : i32
    %dma_wait3A_350 = arith.constant 1 : i32
    %dma_wait3A_351 = arith.constant 0 : i32
    %dma_wait3A_352 = arith.constant 0 : i32
    %dma_wait3A_353 = tpu.memref_slice %arg7[%dma_wait3A_350, %dma_wait3A_351, %dma_wait3A_352] : memref<5x128x32xf32, #tpu.memory_space<vmem>> -> memref<1x128x32xf32, #tpu.memory_space<vmem>>
    %dma_wait3A_354 = tpu.memref_squeeze %dma_wait3A_353 : memref<1x128x32xf32, #tpu.memory_space<vmem>> -> memref<128x32xf32, #tpu.memory_space<vmem>>
    %dma_wait3A_355 = arith.constant 0 : i32
    %dma_wait3A_356 = tpu.memref_slice %arg5[%dma_wait3A_349, %dma_wait3A_355] : memref<200x128xi32, #tpu.memory_space<vmem>> -> memref<1x128xi32, #tpu.memory_space<vmem>>
    %dma_wait3A_357 = tpu.memref_squeeze %dma_wait3A_356 : memref<1x128xi32, #tpu.memory_space<vmem>> -> memref<128xi32, #tpu.memory_space<vmem>>
    %dma_wait3A_358 = arith.constant 0 : i32
    %dma_wait3A_359 = arith.constant 0 : i32
    %dma_wait3A_360 = tpu.memref_slice %arg3[%dma_wait3A_358, %dma_wait3A_359] : memref<1000000x32xf32, #tpu.memory_space<hbm>> -> memref<1000000x32xf32, #tpu.memory_space<hbm>>
    tpu.wait_indirect_dma semaphore(%arg9 : memref<!tpu.dma_semaphore, #tpu.memory_space<semaphore_mem>>) src(%dma_wait3A_360 : memref<1000000x32xf32, #tpu.memory_space<hbm>>) dst(%dma_wait3A_354 : memref<128x32xf32, #tpu.memory_space<vmem>>)
    %dma_wait3A_361 = arith.constant 197 : i32
    %dma_wait3A_362 = arith.constant 2 : i32
    %dma_wait3A_363 = arith.constant 0 : i32
    %dma_wait3A_364 = arith.constant 0 : i32
    %dma_wait3A_365 = tpu.memref_slice %arg7[%dma_wait3A_362, %dma_wait3A_363, %dma_wait3A_364] : memref<5x128x32xf32, #tpu.memory_space<vmem>> -> memref<1x128x32xf32, #tpu.memory_space<vmem>>
    %dma_wait3A_366 = tpu.memref_squeeze %dma_wait3A_365 : memref<1x128x32xf32, #tpu.memory_space<vmem>> -> memref<128x32xf32, #tpu.memory_space<vmem>>
    %dma_wait3A_367 = arith.constant 0 : i32
    %dma_wait3A_368 = tpu.memref_slice %arg5[%dma_wait3A_361, %dma_wait3A_367] : memref<200x128xi32, #tpu.memory_space<vmem>> -> memref<1x128xi32, #tpu.memory_space<vmem>>
    %dma_wait3A_369 = tpu.memref_squeeze %dma_wait3A_368 : memref<1x128xi32, #tpu.memory_space<vmem>> -> memref<128xi32, #tpu.memory_space<vmem>>
    %dma_wait3A_370 = arith.constant 0 : i32
    %dma_wait3A_371 = arith.constant 0 : i32
    %dma_wait3A_372 = tpu.memref_slice %arg3[%dma_wait3A_370, %dma_wait3A_371] : memref<1000000x32xf32, #tpu.memory_space<hbm>> -> memref<1000000x32xf32, #tpu.memory_space<hbm>>
    tpu.wait_indirect_dma semaphore(%arg9 : memref<!tpu.dma_semaphore, #tpu.memory_space<semaphore_mem>>) src(%dma_wait3A_372 : memref<1000000x32xf32, #tpu.memory_space<hbm>>) dst(%dma_wait3A_366 : memref<128x32xf32, #tpu.memory_space<vmem>>)
    %dma_wait3A_373 = arith.constant 198 : i32
    %dma_wait3A_374 = arith.constant 3 : i32
    %dma_wait3A_375 = arith.constant 0 : i32
    %dma_wait3A_376 = arith.constant 0 : i32
    %dma_wait3A_377 = tpu.memref_slice %arg7[%dma_wait3A_374, %dma_wait3A_375, %dma_wait3A_376] : memref<5x128x32xf32, #tpu.memory_space<vmem>> -> memref<1x128x32xf32, #tpu.memory_space<vmem>>
    %dma_wait3A_378 = tpu.memref_squeeze %dma_wait3A_377 : memref<1x128x32xf32, #tpu.memory_space<vmem>> -> memref<128x32xf32, #tpu.memory_space<vmem>>
    %dma_wait3A_379 = arith.constant 0 : i32
    %dma_wait3A_380 = tpu.memref_slice %arg5[%dma_wait3A_373, %dma_wait3A_379] : memref<200x128xi32, #tpu.memory_space<vmem>> -> memref<1x128xi32, #tpu.memory_space<vmem>>
    %dma_wait3A_381 = tpu.memref_squeeze %dma_wait3A_380 : memref<1x128xi32, #tpu.memory_space<vmem>> -> memref<128xi32, #tpu.memory_space<vmem>>
    %dma_wait3A_382 = arith.constant 0 : i32
    %dma_wait3A_383 = arith.constant 0 : i32
    %dma_wait3A_384 = tpu.memref_slice %arg3[%dma_wait3A_382, %dma_wait3A_383] : memref<1000000x32xf32, #tpu.memory_space<hbm>> -> memref<1000000x32xf32, #tpu.memory_space<hbm>>
    tpu.wait_indirect_dma semaphore(%arg9 : memref<!tpu.dma_semaphore, #tpu.memory_space<semaphore_mem>>) src(%dma_wait3A_384 : memref<1000000x32xf32, #tpu.memory_space<hbm>>) dst(%dma_wait3A_378 : memref<128x32xf32, #tpu.memory_space<vmem>>)
    %dma_wait3A_385 = arith.constant 199 : i32
    %dma_wait3A_386 = arith.constant 4 : i32
    %dma_wait3A_387 = arith.constant 0 : i32
    %dma_wait3A_388 = arith.constant 0 : i32
    %dma_wait3A_389 = tpu.memref_slice %arg7[%dma_wait3A_386, %dma_wait3A_387, %dma_wait3A_388] : memref<5x128x32xf32, #tpu.memory_space<vmem>> -> memref<1x128x32xf32, #tpu.memory_space<vmem>>
    %dma_wait3A_390 = tpu.memref_squeeze %dma_wait3A_389 : memref<1x128x32xf32, #tpu.memory_space<vmem>> -> memref<128x32xf32, #tpu.memory_space<vmem>>
    %dma_wait3A_391 = arith.constant 0 : i32
    %dma_wait3A_392 = tpu.memref_slice %arg5[%dma_wait3A_385, %dma_wait3A_391] : memref<200x128xi32, #tpu.memory_space<vmem>> -> memref<1x128xi32, #tpu.memory_space<vmem>>
    %dma_wait3A_393 = tpu.memref_squeeze %dma_wait3A_392 : memref<1x128xi32, #tpu.memory_space<vmem>> -> memref<128xi32, #tpu.memory_space<vmem>>
    %dma_wait3A_394 = arith.constant 0 : i32
    %dma_wait3A_395 = arith.constant 0 : i32
    %dma_wait3A_396 = tpu.memref_slice %arg3[%dma_wait3A_394, %dma_wait3A_395] : memref<1000000x32xf32, #tpu.memory_space<hbm>> -> memref<1000000x32xf32, #tpu.memory_space<hbm>>
    tpu.wait_indirect_dma semaphore(%arg9 : memref<!tpu.dma_semaphore, #tpu.memory_space<semaphore_mem>>) src(%dma_wait3A_396 : memref<1000000x32xf32, #tpu.memory_space<hbm>>) dst(%dma_wait3A_390 : memref<128x32xf32, #tpu.memory_space<vmem>>)
    %add3A_397 = arith.constant 24960 : i32
    %add3A_398 = arith.addi %mul3A_2, %add3A_397 : i32
    %dma_start3A_399 = arith.constant 0 : i32
    %dma_start3A_400 = arith.constant 0 : i32
    %dma_start3A_401 = arith.constant 0 : i32
    %dma_start3A_402 = tpu.memref_slice %arg7[%dma_start3A_399, %dma_start3A_400, %dma_start3A_401] : memref<5x128x32xf32, #tpu.memory_space<vmem>> -> memref<1x128x32xf32, #tpu.memory_space<vmem>>
    %dma_start3A_403 = tpu.memref_squeeze %dma_start3A_402 : memref<1x128x32xf32, #tpu.memory_space<vmem>> -> memref<128x32xf32, #tpu.memory_space<vmem>>
    %dma_start3A_404 = arith.constant 0 : i32
    %dma_start3A_405 = tpu.memref_slice %arg4[%add3A_398, %dma_start3A_404] : memref<819200x32xf32, #tpu.memory_space<hbm>> -> memref<128x32xf32, #tpu.memory_space<hbm>>
    %dma_start3A_406 = arith.constant 0 : i32
    %dma_start3A_407 = tpu.memref_slice %arg4[%add3A_398, %dma_start3A_406] : memref<819200x32xf32, #tpu.memory_space<hbm>> -> memref<128x32xf32, #tpu.memory_space<hbm>>
    %dma_start3A_408 = arith.constant 0 : i32
    %dma_start3A_409 = arith.constant 0 : i32
    %dma_start3A_410 = tpu.memref_slice %arg7[%dma_start3A_399, %dma_start3A_408, %dma_start3A_409] : memref<5x128x32xf32, #tpu.memory_space<vmem>> -> memref<1x128x32xf32, #tpu.memory_space<vmem>>
    %dma_start3A_411 = tpu.memref_squeeze %dma_start3A_410 : memref<1x128x32xf32, #tpu.memory_space<vmem>> -> memref<128x32xf32, #tpu.memory_space<vmem>>
    tpu.enqueue_dma source(%dma_start3A_411 : memref<128x32xf32, #tpu.memory_space<vmem>>) target(%dma_start3A_407 : memref<128x32xf32, #tpu.memory_space<hbm>>) target_semaphore(%arg11 : memref<!tpu.dma_semaphore, #tpu.memory_space<semaphore_mem>>)
    %add3A_412 = arith.constant 25088 : i32
    %add3A_413 = arith.addi %mul3A_2, %add3A_412 : i32
    %dma_start3A_414 = arith.constant 1 : i32
    %dma_start3A_415 = arith.constant 0 : i32
    %dma_start3A_416 = arith.constant 0 : i32
    %dma_start3A_417 = tpu.memref_slice %arg7[%dma_start3A_414, %dma_start3A_415, %dma_start3A_416] : memref<5x128x32xf32, #tpu.memory_space<vmem>> -> memref<1x128x32xf32, #tpu.memory_space<vmem>>
    %dma_start3A_418 = tpu.memref_squeeze %dma_start3A_417 : memref<1x128x32xf32, #tpu.memory_space<vmem>> -> memref<128x32xf32, #tpu.memory_space<vmem>>
    %dma_start3A_419 = arith.constant 0 : i32
    %dma_start3A_420 = tpu.memref_slice %arg4[%add3A_413, %dma_start3A_419] : memref<819200x32xf32, #tpu.memory_space<hbm>> -> memref<128x32xf32, #tpu.memory_space<hbm>>
    %dma_start3A_421 = arith.constant 0 : i32
    %dma_start3A_422 = tpu.memref_slice %arg4[%add3A_413, %dma_start3A_421] : memref<819200x32xf32, #tpu.memory_space<hbm>> -> memref<128x32xf32, #tpu.memory_space<hbm>>
    %dma_start3A_423 = arith.constant 0 : i32
    %dma_start3A_424 = arith.constant 0 : i32
    %dma_start3A_425 = tpu.memref_slice %arg7[%dma_start3A_414, %dma_start3A_423, %dma_start3A_424] : memref<5x128x32xf32, #tpu.memory_space<vmem>> -> memref<1x128x32xf32, #tpu.memory_space<vmem>>
    %dma_start3A_426 = tpu.memref_squeeze %dma_start3A_425 : memref<1x128x32xf32, #tpu.memory_space<vmem>> -> memref<128x32xf32, #tpu.memory_space<vmem>>
    tpu.enqueue_dma source(%dma_start3A_426 : memref<128x32xf32, #tpu.memory_space<vmem>>) target(%dma_start3A_422 : memref<128x32xf32, #tpu.memory_space<hbm>>) target_semaphore(%arg11 : memref<!tpu.dma_semaphore, #tpu.memory_space<semaphore_mem>>)
    %add3A_427 = arith.constant 25216 : i32
    %add3A_428 = arith.addi %mul3A_2, %add3A_427 : i32
    %dma_start3A_429 = arith.constant 2 : i32
    %dma_start3A_430 = arith.constant 0 : i32
    %dma_start3A_431 = arith.constant 0 : i32
    %dma_start3A_432 = tpu.memref_slice %arg7[%dma_start3A_429, %dma_start3A_430, %dma_start3A_431] : memref<5x128x32xf32, #tpu.memory_space<vmem>> -> memref<1x128x32xf32, #tpu.memory_space<vmem>>
    %dma_start3A_433 = tpu.memref_squeeze %dma_start3A_432 : memref<1x128x32xf32, #tpu.memory_space<vmem>> -> memref<128x32xf32, #tpu.memory_space<vmem>>
    %dma_start3A_434 = arith.constant 0 : i32
    %dma_start3A_435 = tpu.memref_slice %arg4[%add3A_428, %dma_start3A_434] : memref<819200x32xf32, #tpu.memory_space<hbm>> -> memref<128x32xf32, #tpu.memory_space<hbm>>
    %dma_start3A_436 = arith.constant 0 : i32
    %dma_start3A_437 = tpu.memref_slice %arg4[%add3A_428, %dma_start3A_436] : memref<819200x32xf32, #tpu.memory_space<hbm>> -> memref<128x32xf32, #tpu.memory_space<hbm>>
    %dma_start3A_438 = arith.constant 0 : i32
    %dma_start3A_439 = arith.constant 0 : i32
    %dma_start3A_440 = tpu.memref_slice %arg7[%dma_start3A_429, %dma_start3A_438, %dma_start3A_439] : memref<5x128x32xf32, #tpu.memory_space<vmem>> -> memref<1x128x32xf32, #tpu.memory_space<vmem>>
    %dma_start3A_441 = tpu.memref_squeeze %dma_start3A_440 : memref<1x128x32xf32, #tpu.memory_space<vmem>> -> memref<128x32xf32, #tpu.memory_space<vmem>>
    tpu.enqueue_dma source(%dma_start3A_441 : memref<128x32xf32, #tpu.memory_space<vmem>>) target(%dma_start3A_437 : memref<128x32xf32, #tpu.memory_space<hbm>>) target_semaphore(%arg11 : memref<!tpu.dma_semaphore, #tpu.memory_space<semaphore_mem>>)
    %add3A_442 = arith.constant 25344 : i32
    %add3A_443 = arith.addi %mul3A_2, %add3A_442 : i32
    %dma_start3A_444 = arith.constant 3 : i32
    %dma_start3A_445 = arith.constant 0 : i32
    %dma_start3A_446 = arith.constant 0 : i32
    %dma_start3A_447 = tpu.memref_slice %arg7[%dma_start3A_444, %dma_start3A_445, %dma_start3A_446] : memref<5x128x32xf32, #tpu.memory_space<vmem>> -> memref<1x128x32xf32, #tpu.memory_space<vmem>>
    %dma_start3A_448 = tpu.memref_squeeze %dma_start3A_447 : memref<1x128x32xf32, #tpu.memory_space<vmem>> -> memref<128x32xf32, #tpu.memory_space<vmem>>
    %dma_start3A_449 = arith.constant 0 : i32
    %dma_start3A_450 = tpu.memref_slice %arg4[%add3A_443, %dma_start3A_449] : memref<819200x32xf32, #tpu.memory_space<hbm>> -> memref<128x32xf32, #tpu.memory_space<hbm>>
    %dma_start3A_451 = arith.constant 0 : i32
    %dma_start3A_452 = tpu.memref_slice %arg4[%add3A_443, %dma_start3A_451] : memref<819200x32xf32, #tpu.memory_space<hbm>> -> memref<128x32xf32, #tpu.memory_space<hbm>>
    %dma_start3A_453 = arith.constant 0 : i32
    %dma_start3A_454 = arith.constant 0 : i32
    %dma_start3A_455 = tpu.memref_slice %arg7[%dma_start3A_444, %dma_start3A_453, %dma_start3A_454] : memref<5x128x32xf32, #tpu.memory_space<vmem>> -> memref<1x128x32xf32, #tpu.memory_space<vmem>>
    %dma_start3A_456 = tpu.memref_squeeze %dma_start3A_455 : memref<1x128x32xf32, #tpu.memory_space<vmem>> -> memref<128x32xf32, #tpu.memory_space<vmem>>
    tpu.enqueue_dma source(%dma_start3A_456 : memref<128x32xf32, #tpu.memory_space<vmem>>) target(%dma_start3A_452 : memref<128x32xf32, #tpu.memory_space<hbm>>) target_semaphore(%arg11 : memref<!tpu.dma_semaphore, #tpu.memory_space<semaphore_mem>>)
    %add3A_457 = arith.constant 25472 : i32
    %add3A_458 = arith.addi %mul3A_2, %add3A_457 : i32
    %dma_start3A_459 = arith.constant 4 : i32
    %dma_start3A_460 = arith.constant 0 : i32
    %dma_start3A_461 = arith.constant 0 : i32
    %dma_start3A_462 = tpu.memref_slice %arg7[%dma_start3A_459, %dma_start3A_460, %dma_start3A_461] : memref<5x128x32xf32, #tpu.memory_space<vmem>> -> memref<1x128x32xf32, #tpu.memory_space<vmem>>
    %dma_start3A_463 = tpu.memref_squeeze %dma_start3A_462 : memref<1x128x32xf32, #tpu.memory_space<vmem>> -> memref<128x32xf32, #tpu.memory_space<vmem>>
    %dma_start3A_464 = arith.constant 0 : i32
    %dma_start3A_465 = tpu.memref_slice %arg4[%add3A_458, %dma_start3A_464] : memref<819200x32xf32, #tpu.memory_space<hbm>> -> memref<128x32xf32, #tpu.memory_space<hbm>>
    %dma_start3A_466 = arith.constant 0 : i32
    %dma_start3A_467 = tpu.memref_slice %arg4[%add3A_458, %dma_start3A_466] : memref<819200x32xf32, #tpu.memory_space<hbm>> -> memref<128x32xf32, #tpu.memory_space<hbm>>
    %dma_start3A_468 = arith.constant 0 : i32
    %dma_start3A_469 = arith.constant 0 : i32
    %dma_start3A_470 = tpu.memref_slice %arg7[%dma_start3A_459, %dma_start3A_468, %dma_start3A_469] : memref<5x128x32xf32, #tpu.memory_space<vmem>> -> memref<1x128x32xf32, #tpu.memory_space<vmem>>
    %dma_start3A_471 = tpu.memref_squeeze %dma_start3A_470 : memref<1x128x32xf32, #tpu.memory_space<vmem>> -> memref<128x32xf32, #tpu.memory_space<vmem>>
    tpu.enqueue_dma source(%dma_start3A_471 : memref<128x32xf32, #tpu.memory_space<vmem>>) target(%dma_start3A_467 : memref<128x32xf32, #tpu.memory_space<hbm>>) target_semaphore(%arg11 : memref<!tpu.dma_semaphore, #tpu.memory_space<semaphore_mem>>)
    %add3A_472 = arith.constant 24960 : i32
    %add3A_473 = arith.addi %mul3A_2, %add3A_472 : i32
    %dma_wait3A_474 = arith.constant 0 : i32
    %dma_wait3A_475 = arith.constant 0 : i32
    %dma_wait3A_476 = arith.constant 0 : i32
    %dma_wait3A_477 = tpu.memref_slice %arg7[%dma_wait3A_474, %dma_wait3A_475, %dma_wait3A_476] : memref<5x128x32xf32, #tpu.memory_space<vmem>> -> memref<1x128x32xf32, #tpu.memory_space<vmem>>
    %dma_wait3A_478 = tpu.memref_squeeze %dma_wait3A_477 : memref<1x128x32xf32, #tpu.memory_space<vmem>> -> memref<128x32xf32, #tpu.memory_space<vmem>>
    %dma_wait3A_479 = arith.constant 0 : i32
    %dma_wait3A_480 = tpu.memref_slice %arg4[%add3A_473, %dma_wait3A_479] : memref<819200x32xf32, #tpu.memory_space<hbm>> -> memref<128x32xf32, #tpu.memory_space<hbm>>
    %dma_wait3A_481 = arith.constant 0 : i32
    %dma_wait3A_482 = tpu.memref_slice %arg4[%add3A_473, %dma_wait3A_481] : memref<819200x32xf32, #tpu.memory_space<hbm>> -> memref<128x32xf32, #tpu.memory_space<hbm>>
    %dma_wait3A_483 = arith.constant 0 : i32
    %dma_wait3A_484 = arith.constant 0 : i32
    %dma_wait3A_485 = tpu.memref_slice %arg7[%dma_wait3A_474, %dma_wait3A_483, %dma_wait3A_484] : memref<5x128x32xf32, #tpu.memory_space<vmem>> -> memref<1x128x32xf32, #tpu.memory_space<vmem>>
    %dma_wait3A_486 = tpu.memref_squeeze %dma_wait3A_485 : memref<1x128x32xf32, #tpu.memory_space<vmem>> -> memref<128x32xf32, #tpu.memory_space<vmem>>
    tpu.wait_dma2 semaphore(%arg11 : memref<!tpu.dma_semaphore, #tpu.memory_space<semaphore_mem>>) src(%dma_wait3A_486 : memref<128x32xf32, #tpu.memory_space<vmem>>) dst(%dma_wait3A_482 : memref<128x32xf32, #tpu.memory_space<hbm>>)
    %add3A_487 = arith.constant 25088 : i32
    %add3A_488 = arith.addi %mul3A_2, %add3A_487 : i32
    %dma_wait3A_489 = arith.constant 1 : i32
    %dma_wait3A_490 = arith.constant 0 : i32
    %dma_wait3A_491 = arith.constant 0 : i32
    %dma_wait3A_492 = tpu.memref_slice %arg7[%dma_wait3A_489, %dma_wait3A_490, %dma_wait3A_491] : memref<5x128x32xf32, #tpu.memory_space<vmem>> -> memref<1x128x32xf32, #tpu.memory_space<vmem>>
    %dma_wait3A_493 = tpu.memref_squeeze %dma_wait3A_492 : memref<1x128x32xf32, #tpu.memory_space<vmem>> -> memref<128x32xf32, #tpu.memory_space<vmem>>
    %dma_wait3A_494 = arith.constant 0 : i32
    %dma_wait3A_495 = tpu.memref_slice %arg4[%add3A_488, %dma_wait3A_494] : memref<819200x32xf32, #tpu.memory_space<hbm>> -> memref<128x32xf32, #tpu.memory_space<hbm>>
    %dma_wait3A_496 = arith.constant 0 : i32
    %dma_wait3A_497 = tpu.memref_slice %arg4[%add3A_488, %dma_wait3A_496] : memref<819200x32xf32, #tpu.memory_space<hbm>> -> memref<128x32xf32, #tpu.memory_space<hbm>>
    %dma_wait3A_498 = arith.constant 0 : i32
    %dma_wait3A_499 = arith.constant 0 : i32
    %dma_wait3A_500 = tpu.memref_slice %arg7[%dma_wait3A_489, %dma_wait3A_498, %dma_wait3A_499] : memref<5x128x32xf32, #tpu.memory_space<vmem>> -> memref<1x128x32xf32, #tpu.memory_space<vmem>>
    %dma_wait3A_501 = tpu.memref_squeeze %dma_wait3A_500 : memref<1x128x32xf32, #tpu.memory_space<vmem>> -> memref<128x32xf32, #tpu.memory_space<vmem>>
    tpu.wait_dma2 semaphore(%arg11 : memref<!tpu.dma_semaphore, #tpu.memory_space<semaphore_mem>>) src(%dma_wait3A_501 : memref<128x32xf32, #tpu.memory_space<vmem>>) dst(%dma_wait3A_497 : memref<128x32xf32, #tpu.memory_space<hbm>>)
    %add3A_502 = arith.constant 25216 : i32
    %add3A_503 = arith.addi %mul3A_2, %add3A_502 : i32
    %dma_wait3A_504 = arith.constant 2 : i32
    %dma_wait3A_505 = arith.constant 0 : i32
    %dma_wait3A_506 = arith.constant 0 : i32
    %dma_wait3A_507 = tpu.memref_slice %arg7[%dma_wait3A_504, %dma_wait3A_505, %dma_wait3A_506] : memref<5x128x32xf32, #tpu.memory_space<vmem>> -> memref<1x128x32xf32, #tpu.memory_space<vmem>>
    %dma_wait3A_508 = tpu.memref_squeeze %dma_wait3A_507 : memref<1x128x32xf32, #tpu.memory_space<vmem>> -> memref<128x32xf32, #tpu.memory_space<vmem>>
    %dma_wait3A_509 = arith.constant 0 : i32
    %dma_wait3A_510 = tpu.memref_slice %arg4[%add3A_503, %dma_wait3A_509] : memref<819200x32xf32, #tpu.memory_space<hbm>> -> memref<128x32xf32, #tpu.memory_space<hbm>>
    %dma_wait3A_511 = arith.constant 0 : i32
    %dma_wait3A_512 = tpu.memref_slice %arg4[%add3A_503, %dma_wait3A_511] : memref<819200x32xf32, #tpu.memory_space<hbm>> -> memref<128x32xf32, #tpu.memory_space<hbm>>
    %dma_wait3A_513 = arith.constant 0 : i32
    %dma_wait3A_514 = arith.constant 0 : i32
    %dma_wait3A_515 = tpu.memref_slice %arg7[%dma_wait3A_504, %dma_wait3A_513, %dma_wait3A_514] : memref<5x128x32xf32, #tpu.memory_space<vmem>> -> memref<1x128x32xf32, #tpu.memory_space<vmem>>
    %dma_wait3A_516 = tpu.memref_squeeze %dma_wait3A_515 : memref<1x128x32xf32, #tpu.memory_space<vmem>> -> memref<128x32xf32, #tpu.memory_space<vmem>>
    tpu.wait_dma2 semaphore(%arg11 : memref<!tpu.dma_semaphore, #tpu.memory_space<semaphore_mem>>) src(%dma_wait3A_516 : memref<128x32xf32, #tpu.memory_space<vmem>>) dst(%dma_wait3A_512 : memref<128x32xf32, #tpu.memory_space<hbm>>)
    %add3A_517 = arith.constant 25344 : i32
    %add3A_518 = arith.addi %mul3A_2, %add3A_517 : i32
    %dma_wait3A_519 = arith.constant 3 : i32
    %dma_wait3A_520 = arith.constant 0 : i32
    %dma_wait3A_521 = arith.constant 0 : i32
    %dma_wait3A_522 = tpu.memref_slice %arg7[%dma_wait3A_519, %dma_wait3A_520, %dma_wait3A_521] : memref<5x128x32xf32, #tpu.memory_space<vmem>> -> memref<1x128x32xf32, #tpu.memory_space<vmem>>
    %dma_wait3A_523 = tpu.memref_squeeze %dma_wait3A_522 : memref<1x128x32xf32, #tpu.memory_space<vmem>> -> memref<128x32xf32, #tpu.memory_space<vmem>>
    %dma_wait3A_524 = arith.constant 0 : i32
    %dma_wait3A_525 = tpu.memref_slice %arg4[%add3A_518, %dma_wait3A_524] : memref<819200x32xf32, #tpu.memory_space<hbm>> -> memref<128x32xf32, #tpu.memory_space<hbm>>
    %dma_wait3A_526 = arith.constant 0 : i32
    %dma_wait3A_527 = tpu.memref_slice %arg4[%add3A_518, %dma_wait3A_526] : memref<819200x32xf32, #tpu.memory_space<hbm>> -> memref<128x32xf32, #tpu.memory_space<hbm>>
    %dma_wait3A_528 = arith.constant 0 : i32
    %dma_wait3A_529 = arith.constant 0 : i32
    %dma_wait3A_530 = tpu.memref_slice %arg7[%dma_wait3A_519, %dma_wait3A_528, %dma_wait3A_529] : memref<5x128x32xf32, #tpu.memory_space<vmem>> -> memref<1x128x32xf32, #tpu.memory_space<vmem>>
    %dma_wait3A_531 = tpu.memref_squeeze %dma_wait3A_530 : memref<1x128x32xf32, #tpu.memory_space<vmem>> -> memref<128x32xf32, #tpu.memory_space<vmem>>
    tpu.wait_dma2 semaphore(%arg11 : memref<!tpu.dma_semaphore, #tpu.memory_space<semaphore_mem>>) src(%dma_wait3A_531 : memref<128x32xf32, #tpu.memory_space<vmem>>) dst(%dma_wait3A_527 : memref<128x32xf32, #tpu.memory_space<hbm>>)
    %add3A_532 = arith.constant 25472 : i32
    %add3A_533 = arith.addi %mul3A_2, %add3A_532 : i32
    %dma_wait3A_534 = arith.constant 4 : i32
    %dma_wait3A_535 = arith.constant 0 : i32
    %dma_wait3A_536 = arith.constant 0 : i32
    %dma_wait3A_537 = tpu.memref_slice %arg7[%dma_wait3A_534, %dma_wait3A_535, %dma_wait3A_536] : memref<5x128x32xf32, #tpu.memory_space<vmem>> -> memref<1x128x32xf32, #tpu.memory_space<vmem>>
    %dma_wait3A_538 = tpu.memref_squeeze %dma_wait3A_537 : memref<1x128x32xf32, #tpu.memory_space<vmem>> -> memref<128x32xf32, #tpu.memory_space<vmem>>
    %dma_wait3A_539 = arith.constant 0 : i32
    %dma_wait3A_540 = tpu.memref_slice %arg4[%add3A_533, %dma_wait3A_539] : memref<819200x32xf32, #tpu.memory_space<hbm>> -> memref<128x32xf32, #tpu.memory_space<hbm>>
    %dma_wait3A_541 = arith.constant 0 : i32
    %dma_wait3A_542 = tpu.memref_slice %arg4[%add3A_533, %dma_wait3A_541] : memref<819200x32xf32, #tpu.memory_space<hbm>> -> memref<128x32xf32, #tpu.memory_space<hbm>>
    %dma_wait3A_543 = arith.constant 0 : i32
    %dma_wait3A_544 = arith.constant 0 : i32
    %dma_wait3A_545 = tpu.memref_slice %arg7[%dma_wait3A_534, %dma_wait3A_543, %dma_wait3A_544] : memref<5x128x32xf32, #tpu.memory_space<vmem>> -> memref<1x128x32xf32, #tpu.memory_space<vmem>>
    %dma_wait3A_546 = tpu.memref_squeeze %dma_wait3A_545 : memref<1x128x32xf32, #tpu.memory_space<vmem>> -> memref<128x32xf32, #tpu.memory_space<vmem>>
    tpu.wait_dma2 semaphore(%arg11 : memref<!tpu.dma_semaphore, #tpu.memory_space<semaphore_mem>>) src(%dma_wait3A_546 : memref<128x32xf32, #tpu.memory_space<vmem>>) dst(%dma_wait3A_542 : memref<128x32xf32, #tpu.memory_space<hbm>>)
    return
  }
}

</mosaic_0001>

<sc_bundles>
// kernel: kernel.3.cloned.1.call-start
scs
__scs_entry_jumppad:
0x0: {  	(pc) =	sbr.rel $0x88, $3  }
0x1: {  	(tag) =	ssettag $0x0;
	lr =	simm.s32 $0x1  }
0x2: {  	[smem:$0x3F9F] =	sst lr;
	_ =	strace $0xD0000000  }
0x3: {  	_ = 	snop  }
0x4: {  	_ = 	snop  }
0x5: {  	_ = 	snop  }
0x6: {  	_ = 	snop  }
0x7: {  	_ = 	snop  }
__scs_overlays_trampoline_lowered:
0x8: {  	[smem:$0x3FAE] =	sst s0  }
0x9: {  	[smem:$0x3FAF] =	sst s1  }
0xa: {  	[smem:$0x3FB0] =	sst s2  }
0xb: {  	[smem:$0x3FB1] =	sst s3  }
0xc: {  	[smem:$0x3FB2] =	sst s4  }
0xd: {  	[smem:$0x3FB3] =	sst s5  }
0xe: {  	[smem:$0x3FB4] =	sst s6  }
0xf: {  	[smem:$0x3FB5] =	sst s7  }
0x10: {  	[smem:$0x3FB6] =	sst s8  }
0x11: {  	[smem:$0x3FB7] =	sst s9;
	s0 =	simm.s32 @!p0 $0x0  }
0x12: {  	s1 =	sld [smem:$0x3F9D];
	s0 =	simm.s32 @p0 $0x1  }
0x13: {  	[smem:$0x3FB8] =	sst s0;
	s0 =	simm.s32 @!p1 $0x0  }
0x14: {  	s2 =	sld [smem:$0x3F9C];
	s0 =	simm.s32 @p1 $0x1  }
0x15: {  	[smem:$0x3FB9] =	sst s0;
	s0 =	simm.s32 @!p2 $0x0  }
0x16: {  	s3 =	sld [smem:$0x3FDB];
	s0 =	simm.s32 @p2 $0x1  }
0x17: {  	s4 =	simm.s32 $0x1BF5;
	[smem:$0x3FBB] =	sst s0  }
0x18: {  	s0 =	sld [smem:$0x3F9E];
	_ =	swait.ge [sflag:s4], $0x0  }
0x19: {  	s7 =	sld [smem:$0x3F9F]  }
0x1a: {  	s8 =	sadd.s32 $0xFFFFE003, lr  }
0x1b: {  	s9 =	sadd.s32 $0xFFFFFEF7, lr;
	s5 =	simm.s32 $0xFFFFFFFF;
	p2 =	slt.u32 s8, $0xFFFFF086  }
0x1c: {  	p1 =	slt.u32 s9, $0xF7A;
	s5 =	simm.s32 @!p2 $0x0  }
0x1d: {  	s5 =	simm.s32 @p1 $0x1;
	p0 =	seq.s32 s7, s2  }
0x1e: {  	s7 =	smul.u32 @!p0 $0xF7A, s2;
	p2 =	seq.s32 @!p0 s5, $0x0  }
0x1f: {  	s9 =	smul.u32 $0xF7A, s1;
	s8 =	simm.s32 @!p0 $0x1BF5;
	p2 =	por !p2, p0  }
0x20: {  	[sflag:s8] =	ssyncset.s32 @!p0 $0xFFFFF086;
	s6 =	sadd.s32 @!p0 s3, s7;
	s7 =	simm.s32 @!p0 $0x108  }
0x21: {  	s3 =	sadd.s32 s3, s9;
	s6 =	sadd.s32 @!p0 $0x88, s6;
	s7 =	simm.s32 @p2 $0x1082  }
0x22: {  	[simem:s7], [sflag:s8] =	dma.local @!p0 [hbm:s6], $0xF7A  }
0x23: {  	s9 =	sor.u32 $0xD0000000, s2;
	s6 =	simm.s32 $0x108;
	_ =	swait.ge @!p0 [sflag:s8], $0x0  }
0x24: {  	s3 =	sadd.s32 $0x88, s3;
	s6 =	simm.s32 @!p1 $0x1082;
	[sflag:s4] =	ssyncset.s32 $0xFFFFF086  }
0x25: {  	[simem:s6], [sflag:s4] =	dma.local [hbm:s3], $0xF7A  }
0x26: {  	[smem:$0x3F9F] =	sst s1;
	(tag) =	ssettag s2;
	_ =	strace s9  }
0x27: {  	s1 =	sld [smem:$0x3FAF]  }
0x28: {  	s2 =	sld [smem:$0x3FB0]  }
0x29: {  	s4 =	sld [smem:$0x3FB2]  }
0x2a: {  	p0 =	seq.s32 s5, $0x0;
	s5 =	sld [smem:$0x3FB3]  }
0x2b: {  	s6 =	sld [smem:$0x3FB4]  }
0x2c: {  	s7 =	sld [smem:$0x3FB5]  }
0x2d: {  	s3 =	simm.s32 $0x108;
	s8 =	sld [smem:$0x3FB6]  }
0x2e: {  	s3 =	simm.s32 @!p0 $0x1082;
	s9 =	sld [smem:$0x3FB7]  }
0x2f: {  	lr =	sadd.s32 s0, s3;
	s0 =	sld [smem:$0x3FAE]  }
0x30: {  	s3 =	sld [smem:$0x3FB1]  }
0x31: {  	[smem:$0x3FBA] =	sst s10  }
0x32: {  	s10 =	sld [smem:$0x3FB8];
	_ =	sdelay $0x3  }
0x33: {  	p0 =	seq.s32 s10, $0x1;
	s10 =	sld [smem:$0x3FBA];
	_ =	sdelay $0x3  }
0x34: {  	[smem:$0x3FBA] =	sst s10  }
0x35: {  	s10 =	sld [smem:$0x3FB9];
	_ =	sdelay $0x3  }
0x36: {  	p1 =	seq.s32 s10, $0x1;
	s10 =	sld [smem:$0x3FBA];
	_ =	sdelay $0x3  }
0x37: {  	[smem:$0x3FBA] =	sst s10  }
0x38: {  	s10 =	sld [smem:$0x3FBB]  }
0x39: {  	_ = 	snop;
	(pc) =	sbr.ind lr, $3  }
0x3a: {  	_ = 	snop  }
0x3b: {  	_ = 	snop  }
0x3c: {  	p2 =	seq.s32 s10, $0x1;
	s10 =	sld [smem:$0x3FBA]  }
0x3d: {  	_ =	shalt  }
0x3e: {  	_ =	shalt  }
0x3f: {  	_ =	shalt  }
0x40: {  	_ =	shalt  }
0x41: {  	_ =	shalt  }
0x42: {  	_ =	shalt  }
0x43: {  	_ =	shalt  }
0x44: {  	_ =	shalt  }
0x45: {  	_ =	shalt  }
0x46: {  	_ =	shalt  }
0x47: {  	_ =	shalt  }
0x48: {  	_ =	shalt  }
0x49: {  	_ =	shalt  }
0x4a: {  	_ =	shalt  }
0x4b: {  	_ =	shalt  }
0x4c: {  	_ =	shalt  }
0x4d: {  	_ =	shalt  }
0x4e: {  	_ =	shalt  }
0x4f: {  	_ =	shalt  }
0x50: {  	_ =	shalt  }
0x51: {  	_ =	shalt  }
0x52: {  	_ =	shalt  }
0x53: {  	_ =	shalt  }
0x54: {  	_ =	shalt  }
0x55: {  	_ =	shalt  }
0x56: {  	_ =	shalt  }
0x57: {  	_ =	shalt  }
0x58: {  	_ =	shalt  }
0x59: {  	_ =	shalt  }
0x5a: {  	_ =	shalt  }
0x5b: {  	_ =	shalt  }
0x5c: {  	_ =	shalt  }
0x5d: {  	_ =	shalt  }
0x5e: {  	_ =	shalt  }
0x5f: {  	_ =	shalt  }
0x60: {  	_ =	shalt  }
0x61: {  	_ =	shalt  }
0x62: {  	_ =	shalt  }
0x63: {  	_ =	shalt  }
0x64: {  	_ =	shalt  }
0x65: {  	_ =	shalt  }
0x66: {  	_ =	shalt  }
0x67: {  	_ =	shalt  }
0x68: {  	_ =	shalt  }
0x69: {  	_ =	shalt  }
0x6a: {  	_ =	shalt  }
0x6b: {  	_ =	shalt  }
0x6c: {  	_ =	shalt  }
0x6d: {  	_ =	shalt  }
0x6e: {  	_ =	shalt  }
0x6f: {  	_ =	shalt  }
0x70: {  	_ =	shalt  }
0x71: {  	_ =	shalt  }
0x72: {  	_ =	shalt  }
0x73: {  	_ =	shalt  }
0x74: {  	_ =	shalt  }
0x75: {  	_ =	shalt  }
0x76: {  	_ =	shalt  }
0x77: {  	_ =	shalt  }
0x78: {  	_ =	shalt  }
0x79: {  	_ =	shalt  }
0x7a: {  	_ =	shalt  }
0x7b: {  	_ =	shalt  }
0x7c: {  	_ =	shalt  }
0x7d: {  	_ =	shalt  }
0x7e: {  	_ =	shalt  }
0x7f: {  	_ =	shalt  }
0x80: {  	_ =	shalt  }
0x81: {  	_ =	shalt  }
0x82: {  	_ =	shalt  }
0x83: {  	_ =	shalt  }
0x84: {  	_ =	shalt  }
0x85: {  	_ =	shalt  }
0x86: {  	_ =	shalt  }
0x87: {  	_ =	shalt  }
.Lfunc_end0:
.L_simem_size_0:
called_computation.2_lowered:
.L_overlay_start_0:
0x88: {  	s2 =	sld [smem:$0x3FD9]  }
0x89: {  	s3 =	sld [smem:$0x3FFE];
	_ =	sdelay $0x1  }
0x8a: {  	s1 =	srdreg.scid  }
0x8b: {  	s0 =	sand.u32 $0x1, s1  }
0x8c: {  	s17 =	sshll.u32 s0, $0xA;
	s2 =	sadd.s32 s3, s2  }
0x8d: {  	s2 =	sadd.s32 s2, s17  }
0x8e: {  	[smem:$0x3FC6] =	sst s2  }
0x8f: {  	_ = 	snop  }
0x90: {  	s2 =	sld [smem:$0x3FD0];
	(tm) =	ssettm $0x1  }
0x91: {  	s18 =	sld [smem:$0x3FFB];
	_ =	sdelay $0x3  }
0x92: {  	_ =	strace s18  }
0x93: {  	s3 =	sld [smem:$0x3FFC];
	_ =	sdelay $0x3  }
0x94: {  	_ =	strace s3  }
0x95: {  	s3 =	sld [smem:$0x3FFD];
	_ =	sdelay $0x3  }
0x96: {  	_ =	strace s3  }
0x97: {  	_ =	strace $0x8FFFFFFF  }
0x98: {  	s19 =	sld [smem:$0x3FDB];
	_ =	sdelay $0x1  }
0x99: {  	s4 =	simm.s32 $_scs_section_size  }
0x9a: {  	s5 =	simm.s32 $_size__tile_overlayer_lowered;
	s6 =	simm.s32 $_tile_overlayer_lowered  }
0x9b: {  	s22 =	simm.s32 $0x1BFF;
	s21 =	sshll.u32 s6, $0x1;
	s3 =	sadd.s32 s4, s19  }
0x9c: {  	s7 =	simm.s32 $0x0;
	s20 =	sshll.u32 s5, $0x1;
	s5 =	sadd.s32 s21, s3  }
0x9d: {  	[timem:s7], [sflag:s22] =	dma.local [hbm:s5], s20  }
0x9e: {  	_ =	swait.ge [sflag:s22], s20  }
0x9f: {  	s4 =	ssub.s32 $0x0, s20;
	[sflag:s22] =	ssyncset.done $0x0  }
0xa0: {  	[sflag:s22] =	ssyncadd.s32 s4;
	_ =	sdelay $0x1  }
0xa1: {  	s23 =	simm.s32 $0x1B8B  }
0xa2: {  	_ =	swait.ge [sflag:s23], $0x1  }
0xa3: {  	[sflag:s23] =	ssyncset.done $0x0  }
0xa4: {  	s25 =	simm.s32 $0x1B8E;
	s24 =	sld [smem:$0x3FFE];
	[sflag:s23] =	ssyncadd.s32 $0xFFFFFFFF  }
0xa5: {  	s26 =	simm.s32 $execute0_lowered;
	[smem:$0x3FD2] =	sst s25  }
0xa6: {  	s5 =	sshll.u32 s26, $0x1;
	_ =	strace $0x80000046;
	[dreg:$0x1] =	wrdreg $0xFFFFFFFF  }
0xa7: {  	s28 =	simm.s32 $_size_execute0_lowered;
	s3 =	sadd.s32 s3, s5;
	[dreg:$0x0] =	wrdreg $0x0  }
0xa8: {  	s5 =	sshll.u32 s28, $0x1;
	[dreg:$0x2] =	wrdreg s3  }
0xa9: {  	[dreg:$0x3] =	wrdreg s5  }
0xaa: {  	[dreg:$0x4] =	wrdreg $0xC0  }
0xab: {  	_ =	task [dreg:s7], $0x5FFFF  }
0xac: {  	[dreg:$0x1] =	wrdreg $0xFFFFFFFF  }
0xad: {  	[dreg:$0x0] =	wrdreg $0x60  }
0xae: {  	[dreg:$0x2] =	wrdreg s24  }
0xaf: {  	[dreg:$0x3] =	wrdreg s2  }
0xb0: {  	[dreg:$0x4] =	wrdreg $0x9  }
0xb1: {  	_ =	task.clear_ibuf [dreg:s7], $0x5FFFF;
	_ =	strace $0x90000046  }
0xb2: {  	s29 =	simm.s32 $0x9;
	_ =	strace $0x80000048  }
0xb3: {  	_ =	swait.ge [sflag:s29], $0x1  }
0xb4: {  	[sflag:s29] =	ssyncadd.s32 $0xFFFFFFFF  }
0xb5: {  	_ =	strace $0x90000048  }
0xb6: {  	_ =	sfence  }
0xb7: {  	s30 =	sld [smem:$0x0];
	_ =	sdelay $0x2  }
0xb8: {  	s31 =	sshll.u32 s1, $0xD;
	s1 =	sshrl.u32 s1, $0x2  }
0xb9: {  	s3 =	sand.u32 $0x4000, s31;
	s1 =	sadd.s32 s1, s30  }
0xba: {  	s0 =	sor.u32 s3, s0;
	s1 =	sshll.u32 s1, $0x11  }
0xbb: {  	s0 =	sor.u32 s1, s0  }
0xbc: {  	s0 =	sadd.s32 $0x8F2B, s0  }
0xbd: {  	[sflag:s0] =	ssyncadd.remote.s32 $0x1  }
0xbe: {  	_ =	sfence.sel $0xFFFF  }
0xbf: {  	[dreg:$0x0] =	wrdreg $0xFFFFFFFF;
	(pc) =	sbr.abs _section_cstart, $3  }
0xc0: {  	[dreg:$0x1] =	wrdreg $0xFFFFFFFF  }
0xc1: {  	_ =	task.clear_ibuf [dreg:s7], $0x2FFFF;
	_ =	strace $0x9FFFFFFF  }
0xc2: {  	(tm) =	ssettm $0x7FFFFFFF  }
0xc3: {  	_ =	shalt  }
tec
execute0_lowered:
.L_overlay_start_1:
0x0: {  	(tag) =	ssettag $0x1  }
0x1: {  	s0 =	rddreg [dreg:$0x0]  }
0x2: {  	s1 =	srdreg.scid;
	s12 =	stileid.u32  }
0x3: {  	s5 =	rddreg [dreg:$0x1];
	s8 =	smul.u32 $0xC800, s12  }
0x4: {  	s1 =	sand.u32 $0x1, s1;
	s3 =	sshll.u32 s12, $0x1;
	s18 =	smul.u32 $0x32000, s12  }
0x5: {  	s2 =	simm.s32 $0x0;
	s6 =	sor.u32 s1, s3;
	s11 =	smul.u32 $0x6400, s1  }
0x6: {  	s28 =	simm.s32 $0xB400;
	[smem:$0x7FF] =	sst s2;
	s3 =	smul.u32 $0x6400, s6  }
0x7: {  	s30 =	simm.s32 $0xC400;
	_ =	strace $0x80000047;
	s4 =	smul.u32 $0x19000, s6  }
0x8: {  	s7 =	ssub.s32 $0x2, s1;
	s1 =	smul.u32 $0x19000, s1;
	s3 =	sshrl.u32 s3, $0x3  }
0x9: {  	s10 =	sshrl.u32 s7, $0x1;
	s4 =	sadd.s32 s5, s4;
	s9 =	sadd.s32 s3, s0  }
0xa: {  	s3 =	sadd.s32 $0xF43200, s0;
	s0 =	ssub.s32 s7, s10;
	s10 =	sadd.s32 $0x200, s4  }
0xb: {  	s6 =	smul.u32 $0xC8000, s6;
	s14 =	sadd.s32 $0x400, s4;
	[dreg:$0xd] =	wrdreg s10  }
0xc: {  	s13 =	sadd.s32 s11, s8;
	s15 =	sadd.s32 $0x600, s4;
	[dreg:$0xe] =	wrdreg s14  }
0xd: {  	s7 =	sshll.u32 s13, $0x2;
	s16 =	sadd.s32 $0x800, s4;
	[dreg:$0xf] =	wrdreg s15  }
0xe: {  	s9 =	sadd.s32 $0xE00, s9;
	[dreg:$0x10] =	wrdreg s16;
	s7 =	sadd.s32 s7, s5  }
0xf: {  	s6 =	sshrl.u32 s6, $0x3;
	[dreg:$0xc] =	wrdreg s9;
	s17 =	sadd.s32 $0x1400, s7  }
0x10: {  	s10 =	sadd.s32 s18, s5;
	s19 =	sadd.s32 $0x1C00, s7;
	[dreg:$0x3] =	wrdreg s17  }
0x11: {  	s5 =	sadd.s32 s5, s6;
	s20 =	sadd.s32 $0x1A00, s7;
	[dreg:$0x4] =	wrdreg s19  }
0x12: {  	s29 =	simm.s32 $0x3;
	s6 =	sadd.s32 $0x18600, s5;
	[dreg:$0x5] =	wrdreg s20  }
0x13: {  	s31 =	simm.s32 $0x2;
	s1 =	sadd.s32 s1, s10;
	[dreg:$0x11] =	wrdreg s6  }
0x14: {  	s15 =	smax.u32 s0, $0x1;
	s22 =	sadd.s32 $0x18800, s5;
	[dreg:$0x6] =	wrdreg s1  }
0x15: {  	s16 =	simm.s32 $0x5;
	s21 =	sadd.s32 $0x1600, s7;
	[dreg:$0x12] =	wrdreg s22  }
0x16: {  	s18 =	simm.s32 $0x6400;
	s23 =	sadd.s32 $0x1200, s7;
	[dreg:$0x7] =	wrdreg s21  }
0x17: {  	s0 =	simm.s32 $0x4;
	s24 =	sadd.s32 $0xE00, s7;
	[dreg:$0x8] =	wrdreg s23  }
0x18: {  	s12 =	sadd.s32 $0x18A00, s5;
	s25 =	sadd.s32 $0xC00, s7;
	[dreg:$0x9] =	wrdreg s24  }
0x19: {  	s13 =	sadd.s32 $0x18C00, s5;
	s26 =	sadd.s32 $0xA00, s7;
	[dreg:$0xa] =	wrdreg s25  }
0x1a: {  	s14 =	sadd.s32 $0x18E00, s5;
	[dreg:$0xb] =	wrdreg s26;
	s17 =	simm.s32 $0x80  }
0x1b: {  	s19 =	simm.s32 $0x7400;
	s21 =	simm.s32 $0x8400;
	s23 =	simm.s32 $0x9400  }
0x1c: {  	s25 =	simm.s32 $0xA400;
	s1 =	simm.s32 $0xD400;
	s20 =	simm.s32 $0xE400  }
0x1d: {  	s24 =	simm.s32 $0xF400;
	s26 =	simm.s32 $0x1;
	s22 =	simm.s32 $0x0  }
.LBB2_1:
0x1e: {  	s5 =	rddreg [dreg:$0xc]  }
0x1f: {  	[tilespmem:s2], [sflag:$0x5] =	stream.linear.gather [hbm4b:s5+s2], $0x6400, $0x38;
	[tilespmem:$0x10400] =	vst v63  }
0x20: {  	_ =	swait.ge [sflag:s16], $0x6400  }
0x21: {  	[sflag:s16] =	ssyncset.done $0x0  }
0x22: {  	[sflag:s16] =	ssyncadd.s32 $0xFFFF9C00  }
0x23: {  	[tilespmem:s18], [sflag:$0x1] =	stream.indirect.gather [hbm4b:s3+s17], $0x20, s2, s17, $0xb8;
	[tilespmem:$0x10400] =	vst v63  }
0x24: {  	_ = 	snop  }
0x25: {  	[tilespmem:s19], [sflag:$0x1] =	stream.indirect.gather [hbm4b:s3+s17], $0x20, s17, s17, $0xb8;
	[tilespmem:$0x10400] =	vst v63  }
0x26: {  	s6 =	simm.s32 $0x100  }
0x27: {  	[tilespmem:s21], [sflag:$0x1] =	stream.indirect.gather [hbm4b:s3+s17], $0x20, s6, s17, $0xb8;
	[tilespmem:$0x10400] =	vst v63  }
0x28: {  	s7 =	simm.s32 $0x180  }
0x29: {  	[tilespmem:s23], [sflag:$0x1] =	stream.indirect.gather [hbm4b:s3+s17], $0x20, s7, s17, $0xb8;
	[tilespmem:$0x10400] =	vst v63  }
0x2a: {  	s8 =	simm.s32 $0x200  }
0x2b: {  	[tilespmem:s25], [sflag:$0x1] =	stream.indirect.gather [hbm4b:s3+s17], $0x20, s8, s17, $0xb8;
	[tilespmem:$0x10400] =	vst v63  }
0x2c: {  	s9 =	simm.s32 $0x280  }
0x2d: {  	[tilespmem:s28], [sflag:$0x2] =	stream.indirect.gather [hbm4b:s3+s17], $0x20, s9, s17, $0xb8;
	[tilespmem:$0x10400] =	vst v63  }
0x2e: {  	s10 =	simm.s32 $0x300  }
0x2f: {  	[tilespmem:s30], [sflag:$0x2] =	stream.indirect.gather [hbm4b:s3+s17], $0x20, s10, s17, $0xb8;
	[tilespmem:$0x10400] =	vst v63  }
0x30: {  	s11 =	simm.s32 $0x380  }
0x31: {  	[tilespmem:s1], [sflag:$0x2] =	stream.indirect.gather [hbm4b:s3+s17], $0x20, s11, s17, $0xb8;
	[tilespmem:$0x10400] =	vst v63  }
0x32: {  	s6 =	simm.s32 $0x400  }
0x33: {  	[tilespmem:s20], [sflag:$0x2] =	stream.indirect.gather [hbm4b:s3+s17], $0x20, s6, s17, $0xb8;
	[tilespmem:$0x10400] =	vst v63  }
0x34: {  	s7 =	simm.s32 $0x480  }
0x35: {  	[tilespmem:s24], [sflag:$0x2] =	stream.indirect.gather [hbm4b:s3+s17], $0x20, s7, s17, $0xb8;
	[tilespmem:$0x10400] =	vst v63  }
0x36: {  	_ =	swait.ge [sflag:s26], $0x1000  }
0x37: {  	[sflag:s26] =	ssyncset.done $0x0  }
0x38: {  	[sflag:s26] =	ssyncadd.s32 $0xFFFFF000  }
0x39: {  	_ =	swait.ge [sflag:s26], $0x1000  }
0x3a: {  	[sflag:s26] =	ssyncset.done $0x0  }
0x3b: {  	[sflag:s26] =	ssyncadd.s32 $0xFFFFF000  }
0x3c: {  	_ =	swait.ge [sflag:s26], $0x1000  }
0x3d: {  	[sflag:s26] =	ssyncset.done $0x0  }
0x3e: {  	[sflag:s26] =	ssyncadd.s32 $0xFFFFF000  }
0x3f: {  	_ =	swait.ge [sflag:s26], $0x1000  }
0x40: {  	[sflag:s26] =	ssyncset.done $0x0  }
0x41: {  	[sflag:s26] =	ssyncadd.s32 $0xFFFFF000  }
0x42: {  	_ =	swait.ge [sflag:s26], $0x1000  }
0x43: {  	[sflag:s26] =	ssyncset.done $0x0  }
0x44: {  	[sflag:s26] =	ssyncadd.s32 $0xFFFFF000  }
0x45: {  	[hbm4b:s4+s2] =	stream.linear.scatter [tilespmem:s18], [sflag:$0x3], $0x1000, $0x38;
	[tilespmem:$0x10400] =	vst v63  }
0x46: {  	s8 =	rddreg [dreg:$0xd]  }
0x47: {  	[hbm4b:s8+s2] =	stream.linear.scatter [tilespmem:s19], [sflag:$0x3], $0x1000, $0x38;
	[tilespmem:$0x10400] =	vst v63  }
0x48: {  	s9 =	rddreg [dreg:$0xe]  }
0x49: {  	[hbm4b:s9+s2] =	stream.linear.scatter [tilespmem:s21], [sflag:$0x3], $0x1000, $0x38;
	[tilespmem:$0x10400] =	vst v63  }
0x4a: {  	s10 =	rddreg [dreg:$0xf]  }
0x4b: {  	[hbm4b:s10+s2] =	stream.linear.scatter [tilespmem:s23], [sflag:$0x3], $0x1000, $0x38;
	[tilespmem:$0x10400] =	vst v63  }
0x4c: {  	s11 =	rddreg [dreg:$0x10]  }
0x4d: {  	[hbm4b:s11+s2] =	stream.linear.scatter [tilespmem:s25], [sflag:$0x3], $0x1000, $0x38;
	[tilespmem:$0x10400] =	vst v63  }
0x4e: {  	_ =	swait.ge [sflag:s29], $0x1000  }
0x4f: {  	[sflag:s29] =	ssyncset.done $0x0  }
0x50: {  	[sflag:s29] =	ssyncadd.s32 $0xFFFFF000  }
0x51: {  	_ =	swait.ge [sflag:s29], $0x1000  }
0x52: {  	[sflag:s29] =	ssyncset.done $0x0  }
0x53: {  	[sflag:s29] =	ssyncadd.s32 $0xFFFFF000  }
0x54: {  	_ =	swait.ge [sflag:s29], $0x1000  }
0x55: {  	[sflag:s29] =	ssyncset.done $0x0  }
0x56: {  	[sflag:s29] =	ssyncadd.s32 $0xFFFFF000  }
0x57: {  	_ =	swait.ge [sflag:s29], $0x1000  }
0x58: {  	[sflag:s29] =	ssyncset.done $0x0  }
0x59: {  	[sflag:s29] =	ssyncadd.s32 $0xFFFFF000  }
0x5a: {  	_ =	swait.ge [sflag:s29], $0x1000  }
0x5b: {  	[sflag:s29] =	ssyncset.done $0x0  }
0x5c: {  	s6 =	simm.s32 $0x500;
	[sflag:s29] =	ssyncadd.s32 $0xFFFFF000  }
0x5d: {  	[tilespmem:s18], [sflag:$0x1] =	stream.indirect.gather [hbm4b:s3+s17], $0x20, s6, s17, $0xb8;
	[tilespmem:$0x10400] =	vst v63  }
0x5e: {  	s7 =	simm.s32 $0x580  }
0x5f: {  	[tilespmem:s19], [sflag:$0x1] =	stream.indirect.gather [hbm4b:s3+s17], $0x20, s7, s17, $0xb8;
	[tilespmem:$0x10400] =	vst v63  }
0x60: {  	s8 =	simm.s32 $0x600  }
0x61: {  	[tilespmem:s21], [sflag:$0x1] =	stream.indirect.gather [hbm4b:s3+s17], $0x20, s8, s17, $0xb8;
	[tilespmem:$0x10400] =	vst v63  }
0x62: {  	s9 =	simm.s32 $0x680  }
0x63: {  	[tilespmem:s23], [sflag:$0x1] =	stream.indirect.gather [hbm4b:s3+s17], $0x20, s9, s17, $0xb8;
	[tilespmem:$0x10400] =	vst v63  }
0x64: {  	s10 =	simm.s32 $0x700  }
0x65: {  	[tilespmem:s25], [sflag:$0x1] =	stream.indirect.gather [hbm4b:s3+s17], $0x20, s10, s17, $0xb8;
	[tilespmem:$0x10400] =	vst v63  }
0x66: {  	_ =	swait.ge [sflag:s31], $0x1000  }
0x67: {  	[sflag:s31] =	ssyncset.done $0x0  }
0x68: {  	[sflag:s31] =	ssyncadd.s32 $0xFFFFF000  }
0x69: {  	_ =	swait.ge [sflag:s31], $0x1000  }
0x6a: {  	[sflag:s31] =	ssyncset.done $0x0  }
0x6b: {  	[sflag:s31] =	ssyncadd.s32 $0xFFFFF000  }
0x6c: {  	_ =	swait.ge [sflag:s31], $0x1000  }
0x6d: {  	[sflag:s31] =	ssyncset.done $0x0  }
0x6e: {  	[sflag:s31] =	ssyncadd.s32 $0xFFFFF000  }
0x6f: {  	_ =	swait.ge [sflag:s31], $0x1000  }
0x70: {  	[sflag:s31] =	ssyncset.done $0x0  }
0x71: {  	[sflag:s31] =	ssyncadd.s32 $0xFFFFF000  }
0x72: {  	_ =	swait.ge [sflag:s31], $0x1000  }
0x73: {  	s11 =	rddreg [dreg:$0xb]  }
0x74: {  	[sflag:s31] =	ssyncset.done $0x0;
	s6 =	rddreg [dreg:$0xa]  }
0x75: {  	s7 =	rddreg [dreg:$0x9];
	[sflag:s31] =	ssyncadd.s32 $0xFFFFF000;
	s5 =	sadd.s32 $0x0, s11  }
0x76: {  	[hbm4b:s5+s2] =	stream.linear.scatter [tilespmem:s28], [sflag:$0x4], $0x1000, $0x38;
	[tilespmem:$0x10400] =	vst v63  }
0x77: {  	s8 =	rddreg [dreg:$0x6];
	s6 =	sadd.s32 $0x0, s6  }
0x78: {  	[hbm4b:s6+s2] =	stream.linear.scatter [tilespmem:s30], [sflag:$0x4], $0x1000, $0x38;
	[tilespmem:$0x10400] =	vst v63  }
0x79: {  	s9 =	sadd.s32 $0x0, s7;
	s6 =	sadd.s32 $0x0, s8  }
0x7a: {  	[hbm4b:s9+s2] =	stream.linear.scatter [tilespmem:s1], [sflag:$0x4], $0x1000, $0x38;
	[tilespmem:$0x10400] =	vst v63  }
0x7b: {  	s10 =	rddreg [dreg:$0x8];
	s11 =	sadd.s32 $0x1000, s6  }
0x7c: {  	[hbm4b:s11+s2] =	stream.linear.scatter [tilespmem:s20], [sflag:$0x4], $0x1000, $0x38;
	[tilespmem:$0x10400] =	vst v63  }
0x7d: {  	s5 =	sadd.s32 $0x0, s10  }
0x7e: {  	[hbm4b:s5+s2] =	stream.linear.scatter [tilespmem:s24], [sflag:$0x4], $0x1000, $0x38;
	[tilespmem:$0x10400] =	vst v63  }
0x7f: {  	_ =	swait.ge [sflag:s0], $0x1000  }
0x80: {  	[sflag:s0] =	ssyncset.done $0x0  }
0x81: {  	[sflag:s0] =	ssyncadd.s32 $0xFFFFF000  }
0x82: {  	_ =	swait.ge [sflag:s0], $0x1000  }
0x83: {  	[sflag:s0] =	ssyncset.done $0x0  }
0x84: {  	[sflag:s0] =	ssyncadd.s32 $0xFFFFF000  }
0x85: {  	_ =	swait.ge [sflag:s0], $0x1000  }
0x86: {  	[sflag:s0] =	ssyncset.done $0x0  }
0x87: {  	[sflag:s0] =	ssyncadd.s32 $0xFFFFF000  }
0x88: {  	_ =	swait.ge [sflag:s0], $0x1000  }
0x89: {  	[sflag:s0] =	ssyncset.done $0x0  }
0x8a: {  	[sflag:s0] =	ssyncadd.s32 $0xFFFFF000  }
0x8b: {  	_ =	swait.ge [sflag:s0], $0x1000  }
0x8c: {  	[sflag:s0] =	ssyncset.done $0x0  }
0x8d: {  	s7 =	simm.s32 $0x780;
	[sflag:s0] =	ssyncadd.s32 $0xFFFFF000  }
0x8e: {  	[tilespmem:s28], [sflag:$0x2] =	stream.indirect.gather [hbm4b:s3+s17], $0x20, s7, s17, $0xb8;
	[tilespmem:$0x10400] =	vst v63  }
0x8f: {  	s8 =	simm.s32 $0x800  }
0x90: {  	[tilespmem:s30], [sflag:$0x2] =	stream.indirect.gather [hbm4b:s3+s17], $0x20, s8, s17, $0xb8;
	[tilespmem:$0x10400] =	vst v63  }
0x91: {  	s9 =	simm.s32 $0x880  }
0x92: {  	[tilespmem:s1], [sflag:$0x2] =	stream.indirect.gather [hbm4b:s3+s17], $0x20, s9, s17, $0xb8;
	[tilespmem:$0x10400] =	vst v63  }
0x93: {  	s10 =	simm.s32 $0x900  }
0x94: {  	[tilespmem:s20], [sflag:$0x2] =	stream.indirect.gather [hbm4b:s3+s17], $0x20, s10, s17, $0xb8;
	[tilespmem:$0x10400] =	vst v63  }
0x95: {  	s11 =	simm.s32 $0x980  }
0x96: {  	[tilespmem:s24], [sflag:$0x2] =	stream.indirect.gather [hbm4b:s3+s17], $0x20, s11, s17, $0xb8;
	[tilespmem:$0x10400] =	vst v63  }
0x97: {  	_ =	swait.ge [sflag:s26], $0x1000  }
0x98: {  	[sflag:s26] =	ssyncset.done $0x0  }
0x99: {  	[sflag:s26] =	ssyncadd.s32 $0xFFFFF000  }
0x9a: {  	_ =	swait.ge [sflag:s26], $0x1000  }
0x9b: {  	[sflag:s26] =	ssyncset.done $0x0  }
0x9c: {  	[sflag:s26] =	ssyncadd.s32 $0xFFFFF000  }
0x9d: {  	_ =	swait.ge [sflag:s26], $0x1000  }
0x9e: {  	[sflag:s26] =	ssyncset.done $0x0  }
0x9f: {  	[sflag:s26] =	ssyncadd.s32 $0xFFFFF000  }
0xa0: {  	_ =	swait.ge [sflag:s26], $0x1000  }
0xa1: {  	[sflag:s26] =	ssyncset.done $0x0  }
0xa2: {  	[sflag:s26] =	ssyncadd.s32 $0xFFFFF000  }
0xa3: {  	_ =	swait.ge [sflag:s26], $0x1000  }
0xa4: {  	s7 =	rddreg [dreg:$0x3];
	[sflag:s26] =	ssyncset.done $0x0  }
0xa5: {  	s8 =	rddreg [dreg:$0x7];
	[sflag:s26] =	ssyncadd.s32 $0xFFFFF000;
	s5 =	sadd.s32 $0x0, s7  }
0xa6: {  	[hbm4b:s5+s2] =	stream.linear.scatter [tilespmem:s18], [sflag:$0x3], $0x1000, $0x38;
	[tilespmem:$0x10400] =	vst v63  }
0xa7: {  	s9 =	sadd.s32 $0x0, s8  }
0xa8: {  	[hbm4b:s9+s2] =	stream.linear.scatter [tilespmem:s19], [sflag:$0x3], $0x1000, $0x38;
	[tilespmem:$0x10400] =	vst v63  }
0xa9: {  	s6 =	sadd.s32 $0x1800, s6;
	s10 =	rddreg [dreg:$0x5]  }
0xaa: {  	[hbm4b:s6+s2] =	stream.linear.scatter [tilespmem:s21], [sflag:$0x3], $0x1000, $0x38;
	[tilespmem:$0x10400] =	vst v63  }
0xab: {  	s11 =	rddreg [dreg:$0x4];
	s5 =	sadd.s32 $0x0, s10  }
0xac: {  	[hbm4b:s5+s2] =	stream.linear.scatter [tilespmem:s23], [sflag:$0x3], $0x1000, $0x38;
	[tilespmem:$0x10400] =	vst v63  }
0xad: {  	s7 =	sadd.s32 $0x0, s11;
	s5 =	simm.s32 $0x1400  }
.LBB2_2:
0xae: {  	[hbm4b:s7+s2] =	stream.linear.scatter [tilespmem:s25], [sflag:$0x3], $0x1000, $0x38;
	[tilespmem:$0x10400] =	vst v63  }
0xaf: {  	_ =	swait.ge [sflag:s29], $0x1000  }
0xb0: {  	[sflag:s29] =	ssyncset.done $0x0  }
0xb1: {  	[sflag:s29] =	ssyncadd.s32 $0xFFFFF000  }
0xb2: {  	_ =	swait.ge [sflag:s29], $0x1000  }
0xb3: {  	[sflag:s29] =	ssyncset.done $0x0  }
0xb4: {  	[sflag:s29] =	ssyncadd.s32 $0xFFFFF000  }
0xb5: {  	_ =	swait.ge [sflag:s29], $0x1000  }
0xb6: {  	[sflag:s29] =	ssyncset.done $0x0  }
0xb7: {  	[sflag:s29] =	ssyncadd.s32 $0xFFFFF000  }
0xb8: {  	_ =	swait.ge [sflag:s29], $0x1000  }
0xb9: {  	[sflag:s29] =	ssyncset.done $0x0  }
0xba: {  	[sflag:s29] =	ssyncadd.s32 $0xFFFFF000  }
0xbb: {  	s6 =	smov.u32 s5;
	_ =	swait.ge [sflag:s29], $0x1000  }
0xbc: {  	s7 =	sshra.s32 s6, $0x2;
	[sflag:s29] =	ssyncset.done $0x0  }
0xbd: {  	s8 =	sadd.s32 $0x500, s7;
	[sflag:s29] =	ssyncadd.s32 $0xFFFFF000  }
0xbe: {  	[tilespmem:s18], [sflag:$0x1] =	stream.indirect.gather [hbm4b:s3+s17], $0x20, s8, s17, $0xb8;
	[tilespmem:$0x10400] =	vst v63  }
0xbf: {  	s9 =	sadd.s32 $0x580, s7  }
0xc0: {  	[tilespmem:s19], [sflag:$0x1] =	stream.indirect.gather [hbm4b:s3+s17], $0x20, s9, s17, $0xb8;
	[tilespmem:$0x10400] =	vst v63  }
0xc1: {  	s10 =	sadd.s32 $0x600, s7  }
0xc2: {  	[tilespmem:s21], [sflag:$0x1] =	stream.indirect.gather [hbm4b:s3+s17], $0x20, s10, s17, $0xb8;
	[tilespmem:$0x10400] =	vst v63  }
0xc3: {  	s11 =	sadd.s32 $0x680, s7  }
0xc4: {  	[tilespmem:s23], [sflag:$0x1] =	stream.indirect.gather [hbm4b:s3+s17], $0x20, s11, s17, $0xb8;
	[tilespmem:$0x10400] =	vst v63  }
0xc5: {  	s9 =	sadd.s32 $0x700, s7  }
0xc6: {  	[tilespmem:s25], [sflag:$0x1] =	stream.indirect.gather [hbm4b:s3+s17], $0x20, s9, s17, $0xb8;
	[tilespmem:$0x10400] =	vst v63  }
0xc7: {  	_ =	swait.ge [sflag:s31], $0x1000  }
0xc8: {  	[sflag:s31] =	ssyncset.done $0x0  }
0xc9: {  	[sflag:s31] =	ssyncadd.s32 $0xFFFFF000  }
0xca: {  	_ =	swait.ge [sflag:s31], $0x1000  }
0xcb: {  	[sflag:s31] =	ssyncset.done $0x0  }
0xcc: {  	[sflag:s31] =	ssyncadd.s32 $0xFFFFF000  }
0xcd: {  	_ =	swait.ge [sflag:s31], $0x1000  }
0xce: {  	[sflag:s31] =	ssyncset.done $0x0  }
0xcf: {  	[sflag:s31] =	ssyncadd.s32 $0xFFFFF000  }
0xd0: {  	_ =	swait.ge [sflag:s31], $0x1000  }
0xd1: {  	[sflag:s31] =	ssyncset.done $0x0  }
0xd2: {  	[sflag:s31] =	ssyncadd.s32 $0xFFFFF000  }
0xd3: {  	_ =	swait.ge [sflag:s31], $0x1000  }
0xd4: {  	s10 =	rddreg [dreg:$0xb]  }
0xd5: {  	[sflag:s31] =	ssyncset.done $0x0;
	s9 =	rddreg [dreg:$0xa]  }
0xd6: {  	[sflag:s31] =	ssyncadd.s32 $0xFFFFF000;
	s8 =	sadd.s32 s6, s10;
	s10 =	rddreg [dreg:$0x9]  }
0xd7: {  	[hbm4b:s8+s2] =	stream.linear.scatter [tilespmem:s28], [sflag:$0x4], $0x1000, $0x38;
	[tilespmem:$0x10400] =	vst v63  }
0xd8: {  	s11 =	sadd.s32 s6, s9;
	s9 =	rddreg [dreg:$0x6]  }
0xd9: {  	[hbm4b:s11+s2] =	stream.linear.scatter [tilespmem:s30], [sflag:$0x4], $0x1000, $0x38;
	[tilespmem:$0x10400] =	vst v63  }
0xda: {  	s10 =	sadd.s32 s6, s10;
	s8 =	sadd.s32 s6, s9  }
0xdb: {  	[hbm4b:s10+s2] =	stream.linear.scatter [tilespmem:s1], [sflag:$0x4], $0x1000, $0x38;
	[tilespmem:$0x10400] =	vst v63  }
0xdc: {  	s9 =	sadd.s32 $0x1000, s8;
	s11 =	rddreg [dreg:$0x8]  }
0xdd: {  	[hbm4b:s9+s2] =	stream.linear.scatter [tilespmem:s20], [sflag:$0x4], $0x1000, $0x38;
	[tilespmem:$0x10400] =	vst v63  }
0xde: {  	s10 =	sadd.s32 s6, s11  }
0xdf: {  	[hbm4b:s10+s2] =	stream.linear.scatter [tilespmem:s24], [sflag:$0x4], $0x1000, $0x38;
	[tilespmem:$0x10400] =	vst v63  }
0xe0: {  	_ =	swait.ge [sflag:s0], $0x1000  }
0xe1: {  	[sflag:s0] =	ssyncset.done $0x0  }
0xe2: {  	[sflag:s0] =	ssyncadd.s32 $0xFFFFF000  }
0xe3: {  	_ =	swait.ge [sflag:s0], $0x1000  }
0xe4: {  	[sflag:s0] =	ssyncset.done $0x0  }
0xe5: {  	[sflag:s0] =	ssyncadd.s32 $0xFFFFF000  }
0xe6: {  	_ =	swait.ge [sflag:s0], $0x1000  }
0xe7: {  	[sflag:s0] =	ssyncset.done $0x0  }
0xe8: {  	[sflag:s0] =	ssyncadd.s32 $0xFFFFF000  }
0xe9: {  	_ =	swait.ge [sflag:s0], $0x1000  }
0xea: {  	[sflag:s0] =	ssyncset.done $0x0  }
0xeb: {  	[sflag:s0] =	ssyncadd.s32 $0xFFFFF000  }
0xec: {  	_ =	swait.ge [sflag:s0], $0x1000  }
0xed: {  	[sflag:s0] =	ssyncset.done $0x0  }
0xee: {  	s10 =	sadd.s32 $0x780, s7;
	[sflag:s0] =	ssyncadd.s32 $0xFFFFF000  }
0xef: {  	[tilespmem:s28], [sflag:$0x2] =	stream.indirect.gather [hbm4b:s3+s17], $0x20, s10, s17, $0xb8;
	[tilespmem:$0x10400] =	vst v63  }
0xf0: {  	s11 =	sadd.s32 $0x800, s7  }
0xf1: {  	[tilespmem:s30], [sflag:$0x2] =	stream.indirect.gather [hbm4b:s3+s17], $0x20, s11, s17, $0xb8;
	[tilespmem:$0x10400] =	vst v63  }
0xf2: {  	s9 =	sadd.s32 $0x880, s7  }
0xf3: {  	[tilespmem:s1], [sflag:$0x2] =	stream.indirect.gather [hbm4b:s3+s17], $0x20, s9, s17, $0xb8;
	[tilespmem:$0x10400] =	vst v63  }
0xf4: {  	s11 =	sadd.s32 $0x900, s7  }
0xf5: {  	[tilespmem:s20], [sflag:$0x2] =	stream.indirect.gather [hbm4b:s3+s17], $0x20, s11, s17, $0xb8;
	[tilespmem:$0x10400] =	vst v63  }
0xf6: {  	s7 =	sadd.s32 $0x980, s7  }
0xf7: {  	[tilespmem:s24], [sflag:$0x2] =	stream.indirect.gather [hbm4b:s3+s17], $0x20, s7, s17, $0xb8;
	[tilespmem:$0x10400] =	vst v63  }
0xf8: {  	_ =	swait.ge [sflag:s26], $0x1000  }
0xf9: {  	[sflag:s26] =	ssyncset.done $0x0  }
0xfa: {  	[sflag:s26] =	ssyncadd.s32 $0xFFFFF000  }
0xfb: {  	_ =	swait.ge [sflag:s26], $0x1000  }
0xfc: {  	[sflag:s26] =	ssyncset.done $0x0  }
0xfd: {  	[sflag:s26] =	ssyncadd.s32 $0xFFFFF000  }
0xfe: {  	_ =	swait.ge [sflag:s26], $0x1000  }
0xff: {  	[sflag:s26] =	ssyncset.done $0x0  }
0x100: {  	[sflag:s26] =	ssyncadd.s32 $0xFFFFF000  }
0x101: {  	_ =	swait.ge [sflag:s26], $0x1000  }
0x102: {  	[sflag:s26] =	ssyncset.done $0x0  }
0x103: {  	[sflag:s26] =	ssyncadd.s32 $0xFFFFF000  }
0x104: {  	_ =	swait.ge [sflag:s26], $0x1000  }
0x105: {  	s11 =	rddreg [dreg:$0x3];
	[sflag:s26] =	ssyncset.done $0x0  }
0x106: {  	s9 =	rddreg [dreg:$0x7];
	[sflag:s26] =	ssyncadd.s32 $0xFFFFF000;
	s7 =	sadd.s32 s6, s11  }
0x107: {  	[hbm4b:s7+s2] =	stream.linear.scatter [tilespmem:s18], [sflag:$0x3], $0x1000, $0x38;
	[tilespmem:$0x10400] =	vst v63  }
0x108: {  	p0 =	sne.s32 s5, $0x16800;
	s9 =	sadd.s32 s6, s9  }
0x109: {  	[hbm4b:s9+s2] =	stream.linear.scatter [tilespmem:s19], [sflag:$0x3], $0x1000, $0x38;
	[tilespmem:$0x10400] =	vst v63  }
.Ltmp0:
0x10a: {  	s10 =	rddreg [dreg:$0x5];
	(pc) =	sbr.rel @p0 .LBB2_2-.Ltmp0, $4  }
0x10b: {  	s8 =	sadd.s32 $0x1800, s8;
	s11 =	rddreg [dreg:$0x4]  }
0x10c: {  	[hbm4b:s8+s2] =	stream.linear.scatter [tilespmem:s21], [sflag:$0x3], $0x1000, $0x38;
	[tilespmem:$0x10400] =	vst v63  }
0x10d: {  	s5 =	sadd.s32 $0x1400, s5;
	s10 =	sadd.s32 s6, s10;
	s7 =	sadd.s32 s6, s11  }
0x10e: {  	[hbm4b:s10+s2] =	stream.linear.scatter [tilespmem:s23], [sflag:$0x3], $0x1000, $0x38;
	[tilespmem:$0x10400] =	vst v63  }
0x10f: {  	[hbm4b:s7+s2] =	stream.linear.scatter [tilespmem:s25], [sflag:$0x3], $0x1000, $0x38;
	[tilespmem:$0x10400] =	vst v63  }
0x110: {  	_ =	swait.ge [sflag:s29], $0x1000  }
0x111: {  	[sflag:s29] =	ssyncset.done $0x0  }
0x112: {  	[sflag:s29] =	ssyncadd.s32 $0xFFFFF000  }
0x113: {  	_ =	swait.ge [sflag:s29], $0x1000  }
0x114: {  	[sflag:s29] =	ssyncset.done $0x0  }
0x115: {  	[sflag:s29] =	ssyncadd.s32 $0xFFFFF000  }
0x116: {  	_ =	swait.ge [sflag:s29], $0x1000  }
0x117: {  	[sflag:s29] =	ssyncset.done $0x0  }
0x118: {  	[sflag:s29] =	ssyncadd.s32 $0xFFFFF000  }
0x119: {  	_ =	swait.ge [sflag:s29], $0x1000  }
0x11a: {  	[sflag:s29] =	ssyncset.done $0x0  }
0x11b: {  	[sflag:s29] =	ssyncadd.s32 $0xFFFFF000  }
0x11c: {  	_ =	swait.ge [sflag:s29], $0x1000  }
0x11d: {  	[sflag:s29] =	ssyncset.done $0x0  }
0x11e: {  	[sflag:s29] =	ssyncadd.s32 $0xFFFFF000  }
0x11f: {  	_ =	swait.ge [sflag:s31], $0x1000  }
0x120: {  	[sflag:s31] =	ssyncset.done $0x0  }
0x121: {  	[sflag:s31] =	ssyncadd.s32 $0xFFFFF000  }
0x122: {  	_ =	swait.ge [sflag:s31], $0x1000  }
0x123: {  	[sflag:s31] =	ssyncset.done $0x0  }
0x124: {  	[sflag:s31] =	ssyncadd.s32 $0xFFFFF000  }
0x125: {  	_ =	swait.ge [sflag:s31], $0x1000  }
0x126: {  	[sflag:s31] =	ssyncset.done $0x0  }
0x127: {  	[sflag:s31] =	ssyncadd.s32 $0xFFFFF000  }
0x128: {  	_ =	swait.ge [sflag:s31], $0x1000  }
0x129: {  	[sflag:s31] =	ssyncset.done $0x0  }
0x12a: {  	[sflag:s31] =	ssyncadd.s32 $0xFFFFF000  }
0x12b: {  	_ =	swait.ge [sflag:s31], $0x1000  }
0x12c: {  	[sflag:s31] =	ssyncset.done $0x0  }
0x12d: {  	s5 =	rddreg [dreg:$0x11];
	[sflag:s31] =	ssyncadd.s32 $0xFFFFF000  }
0x12e: {  	[hbm4b:s5+s2] =	stream.linear.scatter [tilespmem:s28], [sflag:$0x4], $0x1000, $0x38;
	[tilespmem:$0x10400] =	vst v63  }
0x12f: {  	s11 =	rddreg [dreg:$0x12]  }
0x130: {  	[hbm4b:s11+s2] =	stream.linear.scatter [tilespmem:s30], [sflag:$0x4], $0x1000, $0x38;
	[tilespmem:$0x10400] =	vst v63  }
0x131: {  	_ = 	snop  }
0x132: {  	[hbm4b:s12+s2] =	stream.linear.scatter [tilespmem:s1], [sflag:$0x4], $0x1000, $0x38;
	[tilespmem:$0x10400] =	vst v63  }
0x133: {  	_ = 	snop  }
0x134: {  	[hbm4b:s13+s2] =	stream.linear.scatter [tilespmem:s20], [sflag:$0x4], $0x1000, $0x38;
	[tilespmem:$0x10400] =	vst v63  }
0x135: {  	_ = 	snop  }
0x136: {  	[hbm4b:s14+s2] =	stream.linear.scatter [tilespmem:s24], [sflag:$0x4], $0x1000, $0x38;
	[tilespmem:$0x10400] =	vst v63  }
0x137: {  	_ =	swait.ge [sflag:s0], $0x1000  }
0x138: {  	[sflag:s0] =	ssyncset.done $0x0  }
0x139: {  	[sflag:s0] =	ssyncadd.s32 $0xFFFFF000  }
0x13a: {  	_ =	swait.ge [sflag:s0], $0x1000  }
0x13b: {  	[sflag:s0] =	ssyncset.done $0x0  }
0x13c: {  	[sflag:s0] =	ssyncadd.s32 $0xFFFFF000  }
0x13d: {  	_ =	swait.ge [sflag:s0], $0x1000  }
0x13e: {  	[sflag:s0] =	ssyncset.done $0x0  }
0x13f: {  	s22 =	sadd.s32 $0x1, s22;
	[sflag:s0] =	ssyncadd.s32 $0xFFFFF000  }
0x140: {  	p0 =	sne.s32 s22, s15;
	_ =	swait.ge [sflag:s0], $0x1000  }
.Ltmp1:
0x141: {  	[sflag:s0] =	ssyncset.done $0x0;
	(pc) =	sbr.rel @p0 .LBB2_1-.Ltmp1, $4  }
0x142: {  	[sflag:s0] =	ssyncadd.s32 $0xFFFFF000  }
0x143: {  	_ =	swait.ge [sflag:s0], $0x1000  }
0x144: {  	[sflag:s0] =	ssyncset.done $0x0  }
0x145: {  	[sflag:s0] =	ssyncadd.s32 $0xFFFFF000  }
0x146: {  	_ =	sfence.sel $0x180000  }
0x147: {  	[bflag:$0x0] =	sbarrier.arrive $0xFFFF  }
0x148: {  	_ =	strace $0x90000047  }
0x149: {  	s0 =	stileid.u32;
	[bflag:$0x2] =	sbarrier.arrive $0xFFFF  }
0x14a: {  	p0 =	sne.s32 s0, $0x0;
	s0 =	rddreg [dreg:$0x2]  }
0x14b: {  	s0 =	sadd.s32 @!p0 $0x100000, s0  }
0x14c: {  	[sflag:s0] =	ssyncadd.tile.s32 @!p0 $0x1;
	_ =	shalt  }
.Lfunc_end2:
_tile_overlayer_lowered:
.L_overlay_start_2:
0x14d: {  	(tag) =	ssettag $0x2  }
0x14e: {  	s0 =	rddreg [dreg:$0x0];
	s2 =	stileid.u32  }
0x14f: {  	s1 =	rddreg [dreg:$0x1];
	p0 =	sne.s32 s2, $0x0  }
0x150: {  	s3 =	rddreg [dreg:$0x2];
	[bflag:$0x3] =	sbarrier.arrive $0xFFFF;
	s2 =	simm.s32 @!p0 $0x1C05  }
0x151: {  	[timem:s3], [sflag:s2] =	dma.local @!p0 [hbm:s0], s1  }
0x152: {  	s0 =	simm.s32 @!p0 $0x5  }
0x153: {  	_ =	swait.ge @!p0 [sflag:s0], s1  }
0x154: {  	s1 =	ssub.s32 @!p0 $0x0, s1;
	[sflag:s0] =	ssyncset.done @!p0 $0x0  }
0x155: {  	[sflag:s0] =	ssyncadd.s32 @!p0 s1  }
0x156: {  	[bflag:$0x3] =	sbarrier.arrive $0xFFFF  }
0x157: {  	_ =	shalt  }

// kernel: sparse-core-data-format-call.1.cloned.1.call-start
scs
called_computation.1_lowered:
.L_overlay_start_0:
0x0: {  	s2 =	sld [smem:$0x3FD9]  }
0x1: {  	s3 =	sld [smem:$0x3FFE];
	_ =	sdelay $0x1  }
0x2: {  	s1 =	srdreg.scid  }
0x3: {  	s0 =	sand.u32 $0x1, s1  }
0x4: {  	s18 =	sshll.u32 s0, $0xA;
	s2 =	sadd.s32 s3, s2  }
0x5: {  	s2 =	sadd.s32 s2, s18  }
0x6: {  	[smem:$0x3FC6] =	sst s2  }
0x7: {  	_ = 	snop  }
0x8: {  	s2 =	sld [smem:$0x3FD0];
	(tm) =	ssettm $0x1  }
0x9: {  	s19 =	sld [smem:$0x3FFB];
	_ =	sdelay $0x3  }
0xa: {  	_ =	strace s19  }
0xb: {  	s3 =	sld [smem:$0x3FFC];
	_ =	sdelay $0x3  }
0xc: {  	_ =	strace s3  }
0xd: {  	s3 =	sld [smem:$0x3FFD];
	_ =	sdelay $0x3  }
0xe: {  	_ =	strace s3  }
0xf: {  	_ =	strace $0x8FFFFFFF  }
0x10: {  	s20 =	sld [smem:$0x3FDB];
	_ =	sdelay $0x1  }
0x11: {  	s4 =	simm.s32 $_scs_section_size  }
0x12: {  	s5 =	simm.s32 $_size__tile_overlayer_lowered;
	s6 =	simm.s32 $_tile_overlayer_lowered  }
0x13: {  	s23 =	simm.s32 $0x1BFF;
	s22 =	sshll.u32 s6, $0x1;
	s3 =	sadd.s32 s4, s20  }
0x14: {  	s7 =	simm.s32 $0x0;
	s21 =	sshll.u32 s5, $0x1;
	s5 =	sadd.s32 s22, s3  }
0x15: {  	[timem:s7], [sflag:s23] =	dma.local [hbm:s5], s21  }
0x16: {  	_ =	swait.ge [sflag:s23], s21  }
0x17: {  	s4 =	ssub.s32 $0x0, s21;
	[sflag:s23] =	ssyncset.done $0x0  }
0x18: {  	[sflag:s23] =	ssyncadd.s32 s4;
	_ =	sdelay $0x1  }
0x19: {  	s24 =	simm.s32 $0x1B8B  }
0x1a: {  	_ =	swait.ge [sflag:s24], $0x1  }
0x1b: {  	[sflag:s24] =	ssyncset.done $0x0  }
0x1c: {  	s26 =	simm.s32 $0x1B8E;
	s25 =	sld [smem:$0x3FFE];
	[sflag:s24] =	ssyncadd.s32 $0xFFFFFFFF  }
0x1d: {  	s27 =	simm.s32 $execute0_lowered;
	[smem:$0x3FD2] =	sst s26  }
0x1e: {  	s5 =	sshll.u32 s27, $0x1;
	_ =	strace $0x80000049;
	[dreg:$0x1] =	wrdreg $0xFFFFFFFF  }
0x1f: {  	s28 =	simm.s32 $_size_execute0_lowered;
	s3 =	sadd.s32 s3, s5;
	[dreg:$0x0] =	wrdreg $0x0  }
0x20: {  	s5 =	sshll.u32 s28, $0x1;
	[dreg:$0x2] =	wrdreg s3  }
0x21: {  	[dreg:$0x3] =	wrdreg s5  }
0x22: {  	[dreg:$0x4] =	wrdreg $0xC0  }
0x23: {  	_ =	task [dreg:s7], $0x5FFFF  }
0x24: {  	[dreg:$0x1] =	wrdreg $0xFFFFFFFF  }
0x25: {  	[dreg:$0x0] =	wrdreg $0x60  }
0x26: {  	[dreg:$0x2] =	wrdreg s25  }
0x27: {  	[dreg:$0x3] =	wrdreg s2  }
0x28: {  	[dreg:$0x4] =	wrdreg $0x9  }
0x29: {  	_ =	task.clear_ibuf [dreg:s7], $0x5FFFF;
	_ =	strace $0x90000049  }
0x2a: {  	s29 =	simm.s32 $0x9;
	_ =	strace $0x8000004B  }
0x2b: {  	_ =	swait.ge [sflag:s29], $0x1  }
0x2c: {  	[sflag:s29] =	ssyncadd.s32 $0xFFFFFFFF  }
0x2d: {  	_ =	strace $0x9000004B  }
0x2e: {  	_ =	sfence  }
0x2f: {  	s30 =	sld [smem:$0x0];
	_ =	sdelay $0x2  }
0x30: {  	s31 =	sshll.u32 s1, $0xD;
	s1 =	sshrl.u32 s1, $0x2  }
0x31: {  	s3 =	sand.u32 $0x4000, s31;
	s1 =	sadd.s32 s1, s30  }
0x32: {  	s0 =	sor.u32 s3, s0;
	s1 =	sshll.u32 s1, $0x11  }
0x33: {  	s0 =	sor.u32 s1, s0  }
0x34: {  	s0 =	sadd.s32 $0x8F2B, s0  }
0x35: {  	[sflag:s0] =	ssyncadd.remote.s32 $0x1  }
0x36: {  	_ =	sfence.sel $0xFFFF  }
0x37: {  	[dreg:$0x0] =	wrdreg $0xFFFFFFFF;
	(pc) =	sbr.abs _section_cstart, $3  }
0x38: {  	[dreg:$0x1] =	wrdreg $0xFFFFFFFF  }
0x39: {  	_ =	task.clear_ibuf [dreg:s7], $0x2FFFF;
	_ =	strace $0x9FFFFFFF  }
0x3a: {  	(tm) =	ssettm $0x7FFFFFFF  }
0x3b: {  	_ =	shalt  }
tec
execute0_lowered:
.L_overlay_start_1:
0x0: {  	(tag) =	ssettag $0x1  }
0x1: {  	s0 =	srdreg.scid  }
0x2: {  	s1 =	sshll.u32 s0, $0x4  }
0x3: {  	s4 =	rddreg [dreg:$0x0];
	s0 =	stileid.u32;
	s1 =	sand.u32 $0x10, s1  }
0x4: {  	s2 =	rddreg [dreg:$0x1];
	s7 =	simm.s32 $0x1;
	s1 =	sor.u32 s0, s1  }
0x5: {  	s8 =	simm.s32 $0x2;
	s11 =	simm.s32 $0x0;
	s3 =	sshll.u32 s1, $0x7  }
0x6: {  	s10 =	simm.s32 $0x0;
	s4 =	sadd.s32 $0xE00, s4;
	s6 =	ssub.s32 $0xC8000, s3  }
.Ltmp0:
0x7: {  	s1 =	rddreg [dreg:$0x2];
	s5 =	sand.u32 $0xF80, s6;
	(pc) =	sbr.rel .LBB1_1-.Ltmp0, $4  }
0x8: {  	_ =	strace $0x8000004A;
	s9 =	smov.u32 s3;
	p0 =	sne.s32 s5, $0x0  }
0x9: {  	s6 =	sshrl.u32 s6, $0xC;
	s5 =	simm.s32 $0x1;
	s7 =	simm.s32 @!p0 $0x0  }
0xa: {  	[sflag:s5] =	ssyncpa.u1 $0x0;
	p0 =	por $0x0, $0x0;
	s6 =	sadd.s32 s7, s6  }
0xb: {  	[sflag:s8] =	ssyncpa.u1 $0x0;
	s8 =	simm.s32 $0x640000;
	s7 =	sadd.s32 $0x1, s6  }
.LBB1_4:
0xc: {  	s14 =	sshll.u32 s11, $0x3  }
0xd: {  	s30 =	sand.u32 $0x7F, s11;
	s15 =	sand.u32 $0xFFFFFC00, s14  }
0xe: {  	s11 =	sor.u32 s30, s15  }
0xf: {  	s15 =	smulhi.u32 $0x51EB851F, s11  }
0x10: {  	s14 =	smulhi.u32 $0x51EB851F, s14  }
0x11: {  	s15 =	sshrl.u32 s15, $0x12  }
0x12: {  	s14 =	sshrl.u32 s14, $0x12;
	s15 =	smul.u32 $0xC8000, s15  }
0x13: {  	s14 =	sand.u32 $0x1F, s14  }
0x14: {  	s14 =	smul.u32 $0x19000, s14;
	s11 =	ssub.s32 s11, s15  }
0x15: {  	s15 =	sand.u32 $0x7, s11  }
0x16: {  	s14 =	sadd.s32 s2, s14;
	s11 =	sshrl.u32 s11, $0x3;
	s15 =	sshll.u32 s15, $0x12  }
0x17: {  	[tilespmem:s13+$0x0 ss:$0x81] =	vst.msk $0xffff, v0;
	s11 =	sadd.s32 s11, s14;
	s31 =	sor.u32 $0x400, s15  }
0x18: {  	[hbm4b:s11+s31] =	stream.strided.scatter [tilespmem:s12], [sflag:$0x2], $0x1000, s8, s31, $0x20;
	[tilespmem:$0x4040] =	vst v63  }
.LBB1_5:
0x19: {  	s13 =	sadd.s32 $0x1000, s9  }
0x1a: {  	p2 =	sgt.s32 s13, $0xC7FFF  }
0x1b: {  	s13 =	smov.u32 @p2 s3;
	p2 =	sne.s32 s10, s7  }
.Ltmp1:
0x1c: {  	p1 =	slt.u32 s10, $0x2;
	(pc) =	sbr.rel @!p2 .LBB1_6-.Ltmp1, $4  }
0x1d: {  	s12 =	simm.s32 @!p1 $0x2  }
0x1e: {  	s14 =	sadd.s32 $0x1, s10;
	_ =	swait.ge @!p1 [sflag:s12], $0x1000  }
0x1f: {  	s11 =	smov.u32 s9;
	p0 =	por !p0, !p0;
	[sflag:s12] =	ssyncset.done @!p1 $0x0  }
0x20: {  	s10 =	smov.u32 s14;
	s9 =	smov.u32 s13;
	[sflag:s12] =	ssyncadd.s32 @!p1 $0xFFFFF000  }
.LBB1_1:
0x21: {  	p1 =	sge.u32 s10, s6  }
0x22: {  	s12 =	sand.u32 @!p1 $0x1FFFFFF, s9  }
0x23: {  	s13 =	smulhi.u32 @!p1 $0x147AE15, s12;
	_ =	sdelay $0x1  }
0x24: {  	s13 =	sshrl.u32 @!p1 s13, $0xC  }
0x25: {  	s13 =	smul.u32 @!p1 $0xC8000, s13;
	_ =	sdelay $0x1  }
0x26: {  	s31 =	sadd.s32 $0xFFFFFFFF, s10;
	s14 =	sxor.u32 @!p1 $0xFFFFFFFF, s10;
	s12 =	ssub.s32 @!p1 s12, s13  }
0x27: {  	s15 =	simm.s32 @!p1 $0x80;
	s14 =	sshll.u32 @!p1 s14, $0xC;
	s12 =	sshll.u32 @!p1 s12, $0x4  }
0x28: {  	s13 =	sand.u32 @!p1 $0x1000, s14;
	s14 =	simm.s32 @!p1 $0x20;
	s12 =	sadd.s32 @!p1 s4, s12  }
0x29: {  	[tilespmem:s13], [sflag:$0x1] =	stream.strided.gather @!p1 [hbm4b:s12+s14], $0x1000, s15, s14, $0x38;
	[tilespmem:$0x4040] =	vst v63  }
0x2a: {  	p1 =	sge.u32 s31, s6  }
.Ltmp2:
0x2b: {  	_ = 	snop;
	(pc) =	sbr.rel @p1 .LBB1_5-.Ltmp2, $1  }
0x2c: {  	_ =	sdelay $0x3  }
0x2d: {  	s12 =	simm.s32 $0x1  }
0x2e: {  	_ =	swait.ge [sflag:s5], $0x1000;
	s12 =	simm.s32 @!p0 $0x0  }
0x2f: {  	[sflag:s5] =	ssyncset.done $0x0;
	s13 =	sshll.u32 s12, $0xC  }
0x30: {  	[sflag:s5] =	ssyncadd.s32 $0xFFFFF000;
	s16 =	sor.u32 $0x10, s13  }
0x31: {  	s12 =	smul.u32 $0x4080, s12;
	v1 =	vld [tilespmem:s16+$0x0]  }
0x32: {  	s30 =	sand.u32 $0x1, s10;
	v0 =	vld [tilespmem:s16+$0xFFFFFFF0]  }
0x33: {  	s13 =	smul.u32 $0x4080, s30;
	s12 =	sshrl.u32 s12, $0x2  }
0x34: {  	s14 =	sor.u32 $0x2000, s12  }
0x35: {  	s31 =	sshrl.u32 s13, $0x2;
	s13 =	sadd.s32 $0x0, s14  }
0x36: {  	s15 =	simm.s32 $0x4;
	s16 =	sadd.s32 $0x20, s16;
	s12 =	sor.u32 $0x2000, s31;
	[tilespmem:s13+$0x810 ss:$0x81] =	vst.msk $0xffff, v1  }
.LBB1_3:
0x37: {  	v1 =	vld [tilespmem:s16+$0x0];
	p1 =	sne.s32 s15, $0x1FC;
	[tilespmem:s13+$0x0 ss:$0x81] =	vst.msk $0xffff, v0;
	s13 =	smov.u32 s15;
	s15 =	sadd.s32 $0x4, s15  }
.Ltmp3:
0x38: {  	v0 =	vld [tilespmem:s16+$0xFFFFFFF0];
	(pc) =	sbr.rel @p1 .LBB1_3-.Ltmp3, $4  }
0x39: {  	_ = 	snop  }
0x3a: {  	s13 =	sshra.s32 s13, $0x2  }
0x3b: {  	s13 =	sadd.s32 s13, s14  }
0x3c: {  	s16 =	sadd.s32 $0x20, s16;
	[tilespmem:s13+$0x810 ss:$0x81] =	vst.msk $0xffff, v1  }
.Ltmp4:
0x3d: {  	_ = 	snop;
	(pc) =	sbr.rel .LBB1_4-.Ltmp4, $1  }
0x3e: {  	_ =	sdelay $0x3  }
.LBB1_6:
0x3f: {  	_ =	sfence.sel $0x180000  }
0x40: {  	s2 =	simm.s32 $0x1;
	[bflag:$0x0] =	sbarrier.arrive $0xFFFF  }
0x41: {  	s31 =	simm.s32 $0x2;
	[sflag:s2] =	ssyncpa.u1 $0x1  }
0x42: {  	[sflag:s31] =	ssyncpa.u1 $0x1  }
0x43: {  	p0 =	sne.s32 s0, $0x0;
	_ =	strace $0x9000004A  }
0x44: {  	s0 =	sadd.s32 @!p0 $0x100000, s1;
	[bflag:$0x2] =	sbarrier.arrive $0xFFFF  }
0x45: {  	[sflag:s0] =	ssyncadd.tile.s32 @!p0 $0x1;
	_ =	shalt  }
.Lfunc_end1:
_tile_overlayer_lowered:
.L_overlay_start_2:
0x46: {  	(tag) =	ssettag $0x2  }
0x47: {  	s0 =	rddreg [dreg:$0x0];
	s2 =	stileid.u32  }
0x48: {  	s1 =	rddreg [dreg:$0x1];
	p0 =	sne.s32 s2, $0x0  }
0x49: {  	s3 =	rddreg [dreg:$0x2];
	[bflag:$0x3] =	sbarrier.arrive $0xFFFF;
	s2 =	simm.s32 @!p0 $0x1C01  }
0x4a: {  	[timem:s3], [sflag:s2] =	dma.local @!p0 [hbm:s0], s1  }
0x4b: {  	s0 =	simm.s32 @!p0 $0x1  }
0x4c: {  	_ =	swait.ge @!p0 [sflag:s0], s1  }
0x4d: {  	s1 =	ssub.s32 @!p0 $0x0, s1;
	[sflag:s0] =	ssyncset.done @!p0 $0x0  }
0x4e: {  	[sflag:s0] =	ssyncadd.s32 @!p0 s1  }
0x4f: {  	[bflag:$0x3] =	sbarrier.arrive $0xFFFF  }
0x50: {  	_ =	shalt  }

// kernel: sparse-core-data-format-call.cloned.1.call-start
scs
called_computation_lowered:
.L_overlay_start_0:
0x0: {  	s2 =	sld [smem:$0x3FD9]  }
0x1: {  	s3 =	sld [smem:$0x3FFE];
	_ =	sdelay $0x1  }
0x2: {  	s1 =	srdreg.scid  }
0x3: {  	s0 =	sand.u32 $0x1, s1  }
0x4: {  	s18 =	sshll.u32 s0, $0xA;
	s2 =	sadd.s32 s3, s2  }
0x5: {  	s2 =	sadd.s32 s2, s18  }
0x6: {  	[smem:$0x3FC6] =	sst s2  }
0x7: {  	_ = 	snop  }
0x8: {  	s2 =	sld [smem:$0x3FD0];
	(tm) =	ssettm $0x1  }
0x9: {  	s19 =	sld [smem:$0x3FFB];
	_ =	sdelay $0x3  }
0xa: {  	_ =	strace s19  }
0xb: {  	s3 =	sld [smem:$0x3FFC];
	_ =	sdelay $0x3  }
0xc: {  	_ =	strace s3  }
0xd: {  	s3 =	sld [smem:$0x3FFD];
	_ =	sdelay $0x3  }
0xe: {  	_ =	strace s3  }
0xf: {  	_ =	strace $0x8FFFFFFF  }
0x10: {  	s20 =	sld [smem:$0x3FDB];
	_ =	sdelay $0x1  }
0x11: {  	s4 =	simm.s32 $_scs_section_size  }
0x12: {  	s5 =	simm.s32 $_size__tile_overlayer_lowered;
	s6 =	simm.s32 $_tile_overlayer_lowered  }
0x13: {  	s23 =	simm.s32 $0x1BFF;
	s22 =	sshll.u32 s6, $0x1;
	s3 =	sadd.s32 s4, s20  }
0x14: {  	s7 =	simm.s32 $0x0;
	s21 =	sshll.u32 s5, $0x1;
	s5 =	sadd.s32 s22, s3  }
0x15: {  	[timem:s7], [sflag:s23] =	dma.local [hbm:s5], s21  }
0x16: {  	_ =	swait.ge [sflag:s23], s21  }
0x17: {  	s4 =	ssub.s32 $0x0, s21;
	[sflag:s23] =	ssyncset.done $0x0  }
0x18: {  	[sflag:s23] =	ssyncadd.s32 s4;
	_ =	sdelay $0x1  }
0x19: {  	s24 =	simm.s32 $0x1B8B  }
0x1a: {  	_ =	swait.ge [sflag:s24], $0x1  }
0x1b: {  	[sflag:s24] =	ssyncset.done $0x0  }
0x1c: {  	s26 =	simm.s32 $0x1B8E;
	s25 =	sld [smem:$0x3FFE];
	[sflag:s24] =	ssyncadd.s32 $0xFFFFFFFF  }
0x1d: {  	s27 =	simm.s32 $execute0_lowered;
	[smem:$0x3FD2] =	sst s26  }
0x1e: {  	s5 =	sshll.u32 s27, $0x1;
	_ =	strace $0x8000004C;
	[dreg:$0x1] =	wrdreg $0xFFFFFFFF  }
0x1f: {  	s28 =	simm.s32 $_size_execute0_lowered;
	s3 =	sadd.s32 s3, s5;
	[dreg:$0x0] =	wrdreg $0x0  }
0x20: {  	s5 =	sshll.u32 s28, $0x1;
	[dreg:$0x2] =	wrdreg s3  }
0x21: {  	[dreg:$0x3] =	wrdreg s5  }
0x22: {  	[dreg:$0x4] =	wrdreg $0xC0  }
0x23: {  	_ =	task [dreg:s7], $0x5FFFF  }
0x24: {  	[dreg:$0x1] =	wrdreg $0xFFFFFFFF  }
0x25: {  	[dreg:$0x0] =	wrdreg $0x60  }
0x26: {  	[dreg:$0x2] =	wrdreg s25  }
0x27: {  	[dreg:$0x3] =	wrdreg s2  }
0x28: {  	[dreg:$0x4] =	wrdreg $0x9  }
0x29: {  	_ =	task.clear_ibuf [dreg:s7], $0x5FFFF;
	_ =	strace $0x9000004C  }
0x2a: {  	s29 =	simm.s32 $0x9;
	_ =	strace $0x8000004E  }
0x2b: {  	_ =	swait.ge [sflag:s29], $0x1  }
0x2c: {  	[sflag:s29] =	ssyncadd.s32 $0xFFFFFFFF  }
0x2d: {  	_ =	strace $0x9000004E  }
0x2e: {  	_ =	sfence  }
0x2f: {  	s30 =	sld [smem:$0x0];
	_ =	sdelay $0x2  }
0x30: {  	s31 =	sshll.u32 s1, $0xD;
	s1 =	sshrl.u32 s1, $0x2  }
0x31: {  	s3 =	sand.u32 $0x4000, s31;
	s1 =	sadd.s32 s1, s30  }
0x32: {  	s0 =	sor.u32 s3, s0;
	s1 =	sshll.u32 s1, $0x11  }
0x33: {  	s0 =	sor.u32 s1, s0  }
0x34: {  	s0 =	sadd.s32 $0x8F2B, s0  }
0x35: {  	[sflag:s0] =	ssyncadd.remote.s32 $0x1  }
0x36: {  	_ =	sfence.sel $0xFFFF  }
0x37: {  	[dreg:$0x0] =	wrdreg $0xFFFFFFFF;
	(pc) =	sbr.abs _section_cstart, $3  }
0x38: {  	[dreg:$0x1] =	wrdreg $0xFFFFFFFF  }
0x39: {  	_ =	task.clear_ibuf [dreg:s7], $0x2FFFF;
	_ =	strace $0x9FFFFFFF  }
0x3a: {  	(tm) =	ssettm $0x7FFFFFFF  }
0x3b: {  	_ =	shalt  }
tec
execute0_lowered:
.L_overlay_start_1:
0x0: {  	(tag) =	ssettag $0x1  }
0x1: {  	s8 =	rddreg [dreg:$0x0]  }
0x2: {  	s2 =	rddreg [dreg:$0x1];
	s1 =	stileid.u32  }
0x3: {  	s4 =	srdreg.scid;
	s0 =	rddreg [dreg:$0x2];
	_ =	strace $0x8000004D  }
0x4: {  	s9 =	simm.s32 $0x1;
	s31 =	simm.s32 $0x2;
	s16 =	simm.s32 $0x0  }
0x5: {  	s17 =	simm.s32 $0x0;
	s11 =	simm.s32 $0x0;
	s12 =	simm.s32 $0x0  }
0x6: {  	s15 =	simm.s32 $0x0;
	s3 =	sshll.u32 s1, $0x1;
	s4 =	sshll.u32 s4, $0x7  }
0x7: {  	s4 =	sand.u32 $0x80, s4;
	s5 =	ssub.s32 $0x20, s3;
	s14 =	smov.u32 s3  }
0x8: {  	s6 =	sshrl.u32 s5, $0x5;
	s5 =	sand.u32 $0x1E, s5;
	s7 =	ssub.s32 $0x4000, s4  }
0x9: {  	p0 =	sne.s32 s5, $0x0;
	s30 =	sshrl.u32 s7, $0x7;
	s7 =	sshrl.u32 s7, $0x8  }
.Ltmp0:
0xa: {  	s9 =	simm.s32 @!p0 $0x0;
	s10 =	sand.u32 $0x1, s30;
	(pc) =	sbr.rel .LBB1_1-.Ltmp0, $4  }
0xb: {  	s5 =	simm.s32 $0x1;
	s6 =	sadd.s32 s9, s6;
	s7 =	sadd.s32 s7, s10  }
0xc: {  	s13 =	smov.u32 s4;
	[sflag:s5] =	ssyncpa.u1 $0x0;
	s6 =	smul.u32 s6, s7  }
0xd: {  	p0 =	por $0x0, $0x0;
	[sflag:s31] =	ssyncpa.u1 $0x0;
	s10 =	simm.s32 $0x80000  }
0xe: {  	s7 =	sadd.s32 $0xE00, s8;
	s8 =	sadd.s32 $0x40E00, s8;
	s9 =	sadd.s32 $0x1, s6  }
.LBB1_7:
0xf: {  	p1 =	slt.u32 s15, $0x2  }
0x10: {  	s19 =	smov.u32 s17;
	p2 =	sgt.s32 @!p1 s17, $0x1E;
	s18 =	sshra.s32 @!p1 s17, $0x1F  }
0x11: {  	p3 =	sgt.s32 @!p1 s16, $0x3F80;
	s20 =	sshra.s32 @!p1 s16, $0x1F;
	p2 =	por !p2, p1  }
0x12: {  	s17 =	sand.u32 @!p1 s18, s17;
	p3 =	por !p3, p1;
	s18 =	smov.u32 s16  }
0x13: {  	s16 =	sand.u32 @!p1 s20, s16;
	s19 =	simm.s32 @p2 $0x1E;
	s18 =	simm.s32 @p3 $0x3F80  }
0x14: {  	s20 =	smov.u32 s14;
	s17 =	ssub.s32 @!p1 s19, s17;
	s16 =	ssub.s32 @!p1 s18, s16  }
0x15: {  	s18 =	sadd.s32 @!p1 $0xFFFFFFE2, s17;
	s17 =	ssub.s32 @!p1 $0x20, s17;
	s19 =	sadd.s32 @!p1 $0xFFFFC080, s16  }
0x16: {  	p2 =	sgt.s32 @!p1 s18, $0x1;
	s17 =	smul.u32 @!p1 $0x32, s17;
	p3 =	sgt.s32 @!p1 s19, $0x7F  }
0x17: {  	s16 =	ssub.s32 @!p1 $0x4000, s16;
	p2 =	por !p2, p1;
	p3 =	por !p3, p1  }
0x18: {  	s18 =	sadd.s32 $0x100, s13;
	s17 =	simm.s32 @!p2 $0x0;
	s16 =	simm.s32 @!p3 $0x0  }
0x19: {  	p2 =	sgt.s32 s18, $0x3FFF;
	s16 =	smul.u32 @!p1 s16, s17;
	s17 =	sadd.s32 $0x20, s14  }
0x1a: {  	s20 =	smov.u32 @p2 s17  }
0x1b: {  	s18 =	smov.u32 @p2 s4;
	p2 =	sgt.s32 s20, $0x1F  }
0x1c: {  	s20 =	smov.u32 @p2 s3;
	p2 =	sne.s32 s15, s9  }
.Ltmp1:
0x1d: {  	p0 =	por !p0, !p0;
	s19 =	simm.s32 @!p1 $0x2;
	(pc) =	sbr.rel @!p2 .LBB1_8-.Ltmp1, $4  }
0x1e: {  	s17 =	smov.u32 s12;
	s12 =	smov.u32 s14;
	s16 =	sand.u32 @!p1 $0x3FFFFFFE, s16  }
0x1f: {  	_ =	swait.ge @!p1 [sflag:s19], s16;
	s21 =	ssub.s32 @!p1 $0x0, s16;
	s16 =	smov.u32 s11  }
0x20: {  	s15 =	sadd.s32 $0x1, s15;
	s11 =	smov.u32 s13;
	[sflag:s19] =	ssyncset.done @!p1 $0x0  }
0x21: {  	s13 =	smov.u32 s18;
	s14 =	smov.u32 s20;
	[sflag:s19] =	ssyncadd.s32 @!p1 s21  }
.LBB1_1:
0x22: {  	p1 =	sge.u32 s15, s6  }
0x23: {  	s18 =	sxor.u32 @!p1 $0xFFFFFFFF, s15;
	s19 =	sshll.u32 @!p1 s14, $0x12  }
0x24: {  	s20 =	sshll.u32 @!p1 s13, $0x4;
	s22 =	simm.s32 @!p1 $0x40;
	s23 =	simm.s32 @!p1 $0x80  }
0x25: {  	s18 =	sshll.u32 @!p1 s18, $0xE;
	s20 =	sand.u32 @!p1 $0x3FFF0, s20;
	s21 =	sadd.s32 @!p1 s7, s19  }
0x26: {  	s19 =	sadd.s32 @!p1 s19, s8;
	s18 =	sand.u32 @!p1 $0x4000, s18;
	s21 =	sadd.s32 @!p1 s20, s21  }
0x27: {  	[tilespmem:s18], [sflag:$0x1] =	stream.strided.gather @!p1 [hbm4b:s21+s22], $0x2000, s23, s22, $0x38;
	[tilespmem:$0x10100] =	vst v63  }
0x28: {  	s31 =	sadd.s32 $0xFFFFFFFF, s15;
	s19 =	sadd.s32 @!p1 s20, s19;
	s18 =	sor.u32 @!p1 $0x2000, s18  }
0x29: {  	[tilespmem:s18], [sflag:$0x1] =	stream.strided.gather @!p1 [hbm4b:s19+s22], $0x2000, s23, s22, $0x38;
	[tilespmem:$0x10100] =	vst v63  }
0x2a: {  	p1 =	sge.u32 s31, s6  }
.Ltmp2:
0x2b: {  	_ = 	snop;
	(pc) =	sbr.rel @p1 .LBB1_7-.Ltmp2, $1  }
0x2c: {  	_ =	sdelay $0x3  }
0x2d: {  	s18 =	simm.s32 $0x1;
	s20 =	sand.u32 $0x1, s15  }
0x2e: {  	_ =	swait.ge [sflag:s5], $0x4000;
	s18 =	simm.s32 @!p0 $0x0;
	s20 =	smul.u32 $0x10200, s20  }
0x2f: {  	p2 =	por $0x1, $0x1;
	[sflag:s5] =	ssyncset.done $0x0;
	s19 =	smul.u32 $0x10200, s18  }
0x30: {  	s21 =	sshll.u32 s18, $0x10;
	[sflag:s5] =	ssyncadd.s32 $0xFFFFC000;
	s30 =	sshrl.u32 s20, $0x2  }
0x31: {  	s31 =	sshrl.u32 s21, $0x2;
	s21 =	simm.s32 $0x0;
	s19 =	sshrl.u32 s19, $0x2  }
0x32: {  	s18 =	sor.u32 $0x8000, s30;
	s20 =	sadd.s32 $0x20, s31;
	s19 =	sor.u32 $0x8000, s19  }
.LBB1_3:
0x33: {  	s22 =	sshll.u32 s21, $0xD  }
0x34: {  	s22 =	sand.u32 $0x3FFFE000, s22  }
0x35: {  	s24 =	sadd.s32 s22, s20  }
0x36: {  	s31 =	smul.u32 $0x204, s21;
	v3 =	vld [tilespmem:s24+$0x10]  }
0x37: {  	v1 =	vld [tilespmem:s24+$0xFFFFFFF0]  }
0x38: {  	s21 =	sshra.s32 s31, $0x2;
	v0 =	vld [tilespmem:s24+$0x0]  }
0x39: {  	s21 =	sadd.s32 s21, s19;
	v2 =	vld [tilespmem:s24+$0xFFFFFFE0]  }
0x3a: {  	s22 =	sadd.s32 $0x0, s21  }
0x3b: {  	p1 =	por p2, p2;
	s23 =	simm.s32 $0x4;
	s24 =	sadd.s32 $0x40, s24;
	[tilespmem:s22+$0x3060 ss:$0x102] =	vst.msk $0xffff, v3  }
.LBB1_4:
0x3c: {  	v3 =	vld [tilespmem:s24+$0x10];
	p2 =	sne.s32 s23, $0x1FC;
	[tilespmem:s22+$0x1020 ss:$0x102] =	vst.msk $0xffff, v1;
	s25 =	smov.u32 s23;
	s23 =	sadd.s32 $0x4, s23  }
.Ltmp3:
0x3d: {  	v1 =	vld [tilespmem:s24+$0xFFFFFFF0];
	[tilespmem:s22+$0x2040 ss:$0x102] =	vst.msk $0xffff, v0;
	(pc) =	sbr.rel @p2 .LBB1_4-.Ltmp3, $4  }
0x3e: {  	v0 =	vld [tilespmem:s24+$0x0];
	[tilespmem:s22+$0x0 ss:$0x102] =	vst.msk $0xffff, v2  }
0x3f: {  	s22 =	sshra.s32 s25, $0x2;
	v2 =	vld [tilespmem:s24+$0xFFFFFFE0]  }
0x40: {  	s22 =	sadd.s32 s22, s21  }
0x41: {  	s24 =	sadd.s32 $0x40, s24;
	[tilespmem:s22+$0x3060 ss:$0x102] =	vst.msk $0xffff, v3  }
.Ltmp4:
0x42: {  	(pc) =	sbr.rel @p1 .LBB1_3-.Ltmp4, $4  }
0x43: {  	_ = 	snop  }
0x44: {  	[tilespmem:s22+$0x1020 ss:$0x102] =	vst.msk $0xffff, v1  }
0x45: {  	[tilespmem:s22+$0x2040 ss:$0x102] =	vst.msk $0xffff, v0  }
0x46: {  	s21 =	simm.s32 $0x1;
	p2 =	por $0x0, $0x0;
	[tilespmem:s22+$0x0 ss:$0x102] =	vst.msk $0xffff, v2  }
0x47: {  	s19 =	sand.u32 $0x78, s11;
	p1 =	sgt.s32 s12, $0x1E;
	s20 =	smov.u32 s12  }
0x48: {  	s21 =	sshra.s32 s12, $0x1F;
	s22 =	sshll.u32 s12, $0xE;
	s23 =	sshll.u32 s11, $0x3  }
0x49: {  	s30 =	sshra.s32 s11, $0x1F;
	s25 =	sshll.u32 s12, $0x7;
	s20 =	simm.s32 @!p1 $0x1E  }
0x4a: {  	s21 =	sand.u32 s21, s12;
	s22 =	sand.u32 $0x60000, s22;
	p1 =	sgt.s32 s11, $0x3F80  }
0x4b: {  	s25 =	sand.u32 $0x380, s25;
	s20 =	ssub.s32 s20, s21;
	s21 =	smov.u32 s11  }
0x4c: {  	s22 =	sadd.s32 s22, s23;
	s24 =	sadd.s32 $0xFFFFFFE2, s20;
	s21 =	simm.s32 @!p1 $0x3F80  }
0x4d: {  	s20 =	ssub.s32 $0x20, s20;
	p1 =	sgt.s32 s24, $0x1;
	s24 =	sand.u32 s30, s11  }
0x4e: {  	s23 =	sand.u32 $0x3C00, s23;
	s20 =	smul.u32 $0x32, s20;
	s21 =	ssub.s32 s21, s24  }
0x4f: {  	s19 =	sor.u32 s25, s19;
	s22 =	sand.u32 $0x7C000, s22;
	s24 =	sadd.s32 $0xFFFFC080, s21  }
0x50: {  	s20 =	simm.s32 @p1 $0x0;
	s21 =	ssub.s32 $0x4000, s21;
	p1 =	sgt.s32 s24, $0x7F  }
.Ltmp5:
0x51: {  	s19 =	sor.u32 s23, s19;
	s21 =	simm.s32 @p1 $0x0;
	(pc) =	sbr.rel .LBB1_7-.Ltmp5, $4  }
0x52: {  	s31 =	sand.u32 $0x7, s11;
	s19 =	sor.u32 s22, s19;
	s20 =	smul.u32 s21, s20  }
0x53: {  	s19 =	sshrl.u32 s19, $0x3;
	s21 =	sshll.u32 s31, $0x12  }
0x54: {  	s19 =	sadd.s32 s2, s19;
	s21 =	sor.u32 $0x100, s21;
	s20 =	sand.u32 $0x3FFFFFFE, s20  }
0x55: {  	[hbm4b:s19+s21] =	stream.strided.scatter [tilespmem:s18], [sflag:$0x2], s20, s10, s21, $0x20;
	[tilespmem:$0x10100] =	vst v63  }
.LBB1_8:
0x56: {  	_ =	sfence.sel $0x180000  }
0x57: {  	s2 =	simm.s32 $0x1;
	[bflag:$0x0] =	sbarrier.arrive $0xFFFF  }
0x58: {  	s31 =	simm.s32 $0x2;
	[sflag:s2] =	ssyncpa.u1 $0x1  }
0x59: {  	[sflag:s31] =	ssyncpa.u1 $0x1  }
0x5a: {  	p0 =	sne.s32 s1, $0x0;
	_ =	strace $0x9000004D  }
0x5b: {  	s0 =	sadd.s32 @!p0 $0x100000, s0;
	[bflag:$0x2] =	sbarrier.arrive $0xFFFF  }
0x5c: {  	[sflag:s0] =	ssyncadd.tile.s32 @!p0 $0x1;
	_ =	shalt  }
.Lfunc_end1:
_tile_overlayer_lowered:
.L_overlay_start_2:
0x5d: {  	(tag) =	ssettag $0x2  }
0x5e: {  	s0 =	rddreg [dreg:$0x0];
	s2 =	stileid.u32  }
0x5f: {  	s1 =	rddreg [dreg:$0x1];
	p0 =	sne.s32 s2, $0x0  }
0x60: {  	s3 =	rddreg [dreg:$0x2];
	[bflag:$0x3] =	sbarrier.arrive $0xFFFF;
	s2 =	simm.s32 @!p0 $0x1C01  }
0x61: {  	[timem:s3], [sflag:s2] =	dma.local @!p0 [hbm:s0], s1  }
0x62: {  	s0 =	simm.s32 @!p0 $0x1  }
0x63: {  	_ =	swait.ge @!p0 [sflag:s0], s1  }
0x64: {  	s1 =	ssub.s32 @!p0 $0x0, s1;
	[sflag:s0] =	ssyncset.done @!p0 $0x0  }
0x65: {  	[sflag:s0] =	ssyncadd.s32 @!p0 s1  }
0x66: {  	[bflag:$0x3] =	sbarrier.arrive $0xFFFF  }
0x67: {  	_ =	shalt  }

</sc_bundles>
